<compile_context>
chip_gen: v7x
topology: tpu7x:2x2x1
jax: 0.10.2.dev20260603
libtpu: 0.0.44.dev20260713+nightly
codegen_flags: <defaults>
</compile_context>

<pallas_src>
import functools

import jax
import jax.numpy as jnp
from jax import lax
from jax.experimental import pallas as pl
from jax.experimental.pallas import tpu as pltpu
from jax.experimental.pallas import tpu_sc as plsc

_NC = 2
_NS = 16
_NW = _NC * _NS
_L = 16

_TAB = 1024
_TAB_LO = -16.0
_TAB_SCALE = _TAB / 32.0


def _ls_table():
    x = _TAB_LO + (jnp.arange(_TAB, dtype=jnp.float32) + 0.5) / _TAB_SCALE
    return jax.nn.log_sigmoid(x)


@functools.lru_cache(maxsize=None)
def _make_sc_loss(B, S, V, D, K):
    BW = B // _NW
    n_groups = BW // _L
    slots = 1 + K

    mesh = plsc.VectorSubcoreMesh(core_axis_name="c", subcore_axis_name="s")

    @functools.partial(
        pl.kernel,
        mesh=mesh,
        compiler_params=pltpu.CompilerParams(needs_layout_passes=False),
        out_type=jax.ShapeDtypeStruct((_NW, _L), jnp.float32),
        scratch_types=[
            pltpu.VMEM((V * D,), jnp.float32),
            pltpu.VMEM((_TAB,), jnp.float32),
            pltpu.VMEM((D, BW), jnp.float32),
            pltpu.VMEM((D, BW), jnp.float32),
            pltpu.VMEM((S, BW), jnp.int32),
            pltpu.VMEM((K * S, BW), jnp.int32),
            pltpu.VMEM((_L,), jnp.float32),
            pltpu.SemaphoreType.DMA,
            pltpu.SemaphoreType.DMA,
        ],
    )
    def sc_loss(ctx_hbm, x_hbm, neg_hbm, w_hbm, tab_hbm, out_hbm, w_v, t_v,
                c0_v, c1_v, x_v, n_v, a_v, sem0, sem1):
        wid = lax.axis_index("s") * _NC + lax.axis_index("c")
        b0 = wid * BW
        pltpu.sync_copy(w_hbm, w_v)
        pltpu.sync_copy(tab_hbm, t_v)
        pltpu.sync_copy(x_hbm.at[:, pl.ds(b0, BW)], x_v)
        pltpu.sync_copy(neg_hbm.at[:, pl.ds(b0, BW)], n_v)

        lane = lax.iota(jnp.int32, _L)

        def ctx_src(s):
            return ctx_hbm.at[pl.ds(s * D, D), pl.ds(b0, BW)]

        def log_sigmoid(x):
            xc = jnp.minimum(jnp.maximum(x, _TAB_LO), -_TAB_LO)
            u = (xc - _TAB_LO) * _TAB_SCALE
            i = jnp.minimum(u.astype(jnp.int32), _TAB - 1)
            tail = jnp.minimum(x - _TAB_LO, 0.0)
            return plsc.load_gather(t_v, [i]) + tail

        def seq_step(s, c_v, tot):
            sv = jnp.full((_L,), s, jnp.int32)

            def group_body(g, tot_g):
                blane = g * _L + lane
                rowb = [plsc.load_gather(x_v, [sv, blane]) * D]
                for k in range(K):
                    rowb.append(
                        plsc.load_gather(n_v, [sv + k * S, blane]) * D)
                zeros = jnp.zeros((_L,), jnp.float32)
                carry0 = tuple([lane] + [zeros] * slots)

                def d_body(_, carry):
                    rot = carry[0]
                    accs = carry[1:]
                    cv = plsc.load_gather(c_v, [rot, blane])
                    new_accs = []
                    for k in range(slots):
                        wv = plsc.load_gather(w_v, [rowb[k] + rot])
                        new_accs.append(accs[k] + wv * cv)
                    return tuple([(rot + 1) & (D - 1)] + new_accs)

                out = lax.fori_loop(0, D, d_body, carry0, unroll=4)
                accs = out[1:]
                tot_g = tot_g + log_sigmoid(accs[0])
                for k in range(1, slots):
                    tot_g = tot_g + log_sigmoid(-accs[k])
                return tot_g

            return lax.fori_loop(0, n_groups, group_body, tot)

        pltpu.async_copy(ctx_src(0), c0_v, sem0)

        def pair_body(cp, tot):
            s0 = cp * 2
            pltpu.async_copy(ctx_src(s0 + 1), c1_v, sem1)
            pltpu.make_async_copy(ctx_src(s0), c0_v, sem0).wait()
            tot = seq_step(s0, c0_v, tot)

            @pl.when(cp < S // 2 - 1)
            def _():
                pltpu.async_copy(ctx_src(s0 + 2), c0_v, sem0)

            pltpu.make_async_copy(ctx_src(s0 + 1), c1_v, sem1).wait()
            return seq_step(s0 + 1, c1_v, tot)

        tot = lax.fori_loop(0, S // 2, pair_body,
                            jnp.zeros((_L,), jnp.float32))
        a_v[...] = tot
        pltpu.sync_copy(a_v, out_hbm.at[wid])

    return sc_loss


def _tc_reduce_body(s_ref, o_ref):
    o_ref[0, 0] = -jnp.sum(s_ref[...])


def kernel(X, context, W, neg_samples):
    B, S = X.shape
    V, D = W.shape
    K = neg_samples.shape[-1]

    assert B % (_NW * _L) == 0 and S % 2 == 0
    assert D & (D - 1) == 0

    ctx2d = jnp.transpose(context, (1, 2, 0)).reshape(S * D, B)
    x2d = jnp.transpose(X, (1, 0)).astype(jnp.int32)
    neg2d = jnp.transpose(neg_samples, (2, 1, 0)).reshape(K * S, B)
    neg2d = neg2d.astype(jnp.int32)

    parts = _make_sc_loss(B, S, V, D, K)(
        ctx2d, x2d, neg2d, W.reshape(V * D), _ls_table())

    loss = pl.pallas_call(
        _tc_reduce_body,
        out_shape=jax.ShapeDtypeStruct((1, 1), jnp.float32),
        out_specs=pl.BlockSpec(memory_space=pltpu.SMEM),
    )(parts)
    return loss[0, 0]

# --- scband reference (transcript-rebuilt; emitter-appended) ---
"""Pipeline reference for scband-negative-sampling-76802605187376 (READ-ONLY COPY).

The authoritative reference and input builder live on the scoring server;
editing this copy changes nothing except your own understanding.
"""

import jax
import jax.numpy as jnp
import numpy as np

VOCAB = 1000
EMBED = 64
BATCH = 4096
SEQ = 50
NUM_NEG = 5
PAD_IDX = 0
POWER = 0.75


def setup_inputs(seed: int = 0):
    key = jax.random.key(seed)
    k1, k2, k3, k4 = jax.random.split(key, 4)
    X = jax.random.randint(k1, (BATCH, SEQ), 0, VOCAB, dtype=jnp.int32)
    context = jax.random.normal(k2, (BATCH, SEQ, EMBED), dtype=jnp.float32)
    W = jax.random.normal(k3, (VOCAB, EMBED), dtype=jnp.float32) * 0.01
    W = W.at[PAD_IDX].set(0.0)  # padding_idx row is zero
    # WalkerAlias sampler over counter**power; counter is all-ones -> uniform
    counter = np.ones(VOCAB, dtype=np.float64)
    p = np.power(counter, POWER)
    p = p / p.sum()
    neg_samples = jax.random.choice(k4, VOCAB, shape=(BATCH, SEQ, NUM_NEG), p=jnp.asarray(p))
    return {"X": X, "context": context, "W": W, "neg_samples": neg_samples}


def reference(X, context, W, neg_samples):
    # embedding lookup for positive tokens
    embedding = jnp.take(W, X, axis=0)                      # [B, S, D]
    pos_loss = jax.nn.log_sigmoid(jnp.sum(embedding * context, axis=2))  # [B, S]
    # embedding lookup for negative samples
    neg_embedding = jnp.take(W, neg_samples, axis=0)        # [B, S, K, D]
    neg_scores = jnp.sum(-neg_embedding * context[:, :, None, :], axis=3)  # [B, S, K]
    neg_loss = jnp.sum(jax.nn.log_sigmoid(neg_scores), axis=2)             # [B, S]
    return -jnp.sum(pos_loss + neg_loss)

if __name__ == "__main__":
    import jax
    _d = setup_inputs()
    print(jax.jit(kernel)(*tuple(_d.values())))

</pallas_src>

<mosaic_0001>
#map = affine_map<(d0, d1) -> (0, 0)>
#map1 = affine_map<(d0, d1) -> (0)>
module attributes {stable_mosaic.version = 14 : i64} {
  func.func @sc_loss(%arg0: i32, %arg1: i32, %arg2: memref<3200x4096xf32, #tpu.memory_space<hbm>>, %arg3: memref<50x4096xi32, #tpu.memory_space<hbm>>, %arg4: memref<250x4096xi32, #tpu.memory_space<hbm>>, %arg5: memref<64000xf32, #tpu.memory_space<hbm>>, %arg6: memref<1024xf32, #tpu.memory_space<hbm>>, %arg7: memref<32x16xf32, #tpu.memory_space<hbm>>, %arg8: memref<64000xf32, #tpu.memory_space<vmem>>, %arg9: memref<1024xf32, #tpu.memory_space<vmem>>, %arg10: memref<64x128xf32, #tpu.memory_space<vmem>>, %arg11: memref<64x128xf32, #tpu.memory_space<vmem>>, %arg12: memref<50x128xi32, #tpu.memory_space<vmem>>, %arg13: memref<250x128xi32, #tpu.memory_space<vmem>>, %arg14: memref<16xf32, #tpu.memory_space<vmem>>, %arg15: memref<!tpu.dma_semaphore, #tpu.memory_space<semaphore_mem>>, %arg16: memref<!tpu.dma_semaphore, #tpu.memory_space<semaphore_mem>>) attributes {dimension_semantics = [#tpu.dimension_semantics<core_parallel>, #tpu.dimension_semantics<subcore_parallel>], iteration_bounds = array<i64: 2, 16>, scalar_prefetch = 0 : i64, scratch_operands = 9 : i64, tpu.core_type = #tpu.core_type<sc_vector_subcore>, window_params = [{transform_indices = #map}, {transform_indices = #map}, {transform_indices = #map}, {transform_indices = #map1}, {transform_indices = #map1}, {transform_indices = #map}]} {
    %mul3A = arith.constant 2 : i32
    %mul3A_0 = arith.muli %arg1, %mul3A : i32
    %add3A = arith.addi %mul3A_0, %arg0 : i32
    %mul3A_1 = arith.constant 128 : i32
    %mul3A_2 = arith.muli %add3A, %mul3A_1 : i32
    "tpu.region"() ({
      %run_scoped3A = tpu.sem_alloc : memref<!tpu.dma_semaphore, #tpu.memory_space<semaphore_mem>>
      tpu.enqueue_dma source(%arg5 : memref<64000xf32, #tpu.memory_space<hbm>>) target(%arg8 : memref<64000xf32, #tpu.memory_space<vmem>>) target_semaphore(%run_scoped3A : memref<!tpu.dma_semaphore, #tpu.memory_space<semaphore_mem>>)
      tpu.wait_dma2 semaphore(%run_scoped3A : memref<!tpu.dma_semaphore, #tpu.memory_space<semaphore_mem>>) src(%arg5 : memref<64000xf32, #tpu.memory_space<hbm>>) dst(%arg8 : memref<64000xf32, #tpu.memory_space<vmem>>)
      tpu.yield
    }) : () -> ()
    "tpu.region"() ({
      %run_scoped3A = tpu.sem_alloc : memref<!tpu.dma_semaphore, #tpu.memory_space<semaphore_mem>>
      tpu.enqueue_dma source(%arg6 : memref<1024xf32, #tpu.memory_space<hbm>>) target(%arg9 : memref<1024xf32, #tpu.memory_space<vmem>>) target_semaphore(%run_scoped3A : memref<!tpu.dma_semaphore, #tpu.memory_space<semaphore_mem>>)
      tpu.wait_dma2 semaphore(%run_scoped3A : memref<!tpu.dma_semaphore, #tpu.memory_space<semaphore_mem>>) src(%arg6 : memref<1024xf32, #tpu.memory_space<hbm>>) dst(%arg9 : memref<1024xf32, #tpu.memory_space<vmem>>)
      tpu.yield
    }) : () -> ()
    "tpu.region"() ({
      %run_scoped3A = tpu.sem_alloc : memref<!tpu.dma_semaphore, #tpu.memory_space<semaphore_mem>>
      %dma_start3A_13 = arith.constant 0 : i32
      %dma_start3A_14 = tpu.memref_slice %arg3[%dma_start3A_13, %mul3A_2] : memref<50x4096xi32, #tpu.memory_space<hbm>> -> memref<50x128xi32, #tpu.memory_space<hbm>>
      %dma_start3A_15 = arith.constant 0 : i32
      %dma_start3A_16 = tpu.memref_slice %arg3[%dma_start3A_15, %mul3A_2] : memref<50x4096xi32, #tpu.memory_space<hbm>> -> memref<50x128xi32, #tpu.memory_space<hbm>>
      tpu.enqueue_dma source(%dma_start3A_16 : memref<50x128xi32, #tpu.memory_space<hbm>>) target(%arg12 : memref<50x128xi32, #tpu.memory_space<vmem>>) target_semaphore(%run_scoped3A : memref<!tpu.dma_semaphore, #tpu.memory_space<semaphore_mem>>)
      %dma_wait3A = arith.constant 0 : i32
      %dma_wait3A_17 = tpu.memref_slice %arg3[%dma_wait3A, %mul3A_2] : memref<50x4096xi32, #tpu.memory_space<hbm>> -> memref<50x128xi32, #tpu.memory_space<hbm>>
      %dma_wait3A_18 = arith.constant 0 : i32
      %dma_wait3A_19 = tpu.memref_slice %arg3[%dma_wait3A_18, %mul3A_2] : memref<50x4096xi32, #tpu.memory_space<hbm>> -> memref<50x128xi32, #tpu.memory_space<hbm>>
      tpu.wait_dma2 semaphore(%run_scoped3A : memref<!tpu.dma_semaphore, #tpu.memory_space<semaphore_mem>>) src(%dma_wait3A_19 : memref<50x128xi32, #tpu.memory_space<hbm>>) dst(%arg12 : memref<50x128xi32, #tpu.memory_space<vmem>>)
      tpu.yield
    }) : () -> ()
    "tpu.region"() ({
      %run_scoped3A = tpu.sem_alloc : memref<!tpu.dma_semaphore, #tpu.memory_space<semaphore_mem>>
      %dma_start3A_13 = arith.constant 0 : i32
      %dma_start3A_14 = tpu.memref_slice %arg4[%dma_start3A_13, %mul3A_2] : memref<250x4096xi32, #tpu.memory_space<hbm>> -> memref<250x128xi32, #tpu.memory_space<hbm>>
      %dma_start3A_15 = arith.constant 0 : i32
      %dma_start3A_16 = tpu.memref_slice %arg4[%dma_start3A_15, %mul3A_2] : memref<250x4096xi32, #tpu.memory_space<hbm>> -> memref<250x128xi32, #tpu.memory_space<hbm>>
      tpu.enqueue_dma source(%dma_start3A_16 : memref<250x128xi32, #tpu.memory_space<hbm>>) target(%arg13 : memref<250x128xi32, #tpu.memory_space<vmem>>) target_semaphore(%run_scoped3A : memref<!tpu.dma_semaphore, #tpu.memory_space<semaphore_mem>>)
      %dma_wait3A = arith.constant 0 : i32
      %dma_wait3A_17 = tpu.memref_slice %arg4[%dma_wait3A, %mul3A_2] : memref<250x4096xi32, #tpu.memory_space<hbm>> -> memref<250x128xi32, #tpu.memory_space<hbm>>
      %dma_wait3A_18 = arith.constant 0 : i32
      %dma_wait3A_19 = tpu.memref_slice %arg4[%dma_wait3A_18, %mul3A_2] : memref<250x4096xi32, #tpu.memory_space<hbm>> -> memref<250x128xi32, #tpu.memory_space<hbm>>
      tpu.wait_dma2 semaphore(%run_scoped3A : memref<!tpu.dma_semaphore, #tpu.memory_space<semaphore_mem>>) src(%dma_wait3A_19 : memref<250x128xi32, #tpu.memory_space<hbm>>) dst(%arg13 : memref<250x128xi32, #tpu.memory_space<vmem>>)
      tpu.yield
    }) : () -> ()
    %iota3A = tpu.iota {dimensions = array<i32: 0>} : vector<16xi32>
    %dma_start3A = arith.constant 0 : i32
    %dma_start3A_3 = tpu.memref_slice %arg2[%dma_start3A, %mul3A_2] : memref<3200x4096xf32, #tpu.memory_space<hbm>> -> memref<64x128xf32, #tpu.memory_space<hbm>>
    %dma_start3A_4 = arith.constant 0 : i32
    %dma_start3A_5 = tpu.memref_slice %arg2[%dma_start3A_4, %mul3A_2] : memref<3200x4096xf32, #tpu.memory_space<hbm>> -> memref<64x128xf32, #tpu.memory_space<hbm>>
    tpu.enqueue_dma source(%dma_start3A_5 : memref<64x128xf32, #tpu.memory_space<hbm>>) target(%arg10 : memref<64x128xf32, #tpu.memory_space<vmem>>) target_semaphore(%arg15 : memref<!tpu.dma_semaphore, #tpu.memory_space<semaphore_mem>>)
    %broadcast_in_dim3A = arith.constant 0.000000e+00 : f32
    %broadcast_in_dim3A_6 = vector.broadcast %broadcast_in_dim3A : f32 to vector<16xf32>
    %scan3A = arith.constant 0 : i32
    %scan3A_7 = arith.constant 25 : i32
    %scan3A_8 = arith.addi %scan3A, %scan3A_7 : i32
    %scan3A_9 = arith.constant 1 : i32
    %scan3A_10 = scf.for %scan3A_13 = %scan3A to %scan3A_8 step %scan3A_9 iter_args(%scan3A_14 = %broadcast_in_dim3A_6) -> (vector<16xf32>)  : i32 {
      %mul3A_15 = arith.constant 2 : i32
      %mul3A_16 = arith.muli %scan3A_13, %mul3A_15 : i32
      %add3A_17 = arith.constant 1 : i32
      %add3A_18 = arith.addi %mul3A_16, %add3A_17 : i32
      %mul3A_19 = arith.constant 64 : i32
      %mul3A_20 = arith.muli %add3A_18, %mul3A_19 : i32
      %dma_start3A_21 = tpu.memref_slice %arg2[%mul3A_20, %mul3A_2] : memref<3200x4096xf32, #tpu.memory_space<hbm>> -> memref<64x128xf32, #tpu.memory_space<hbm>>
      %dma_start3A_22 = tpu.memref_slice %arg2[%mul3A_20, %mul3A_2] : memref<3200x4096xf32, #tpu.memory_space<hbm>> -> memref<64x128xf32, #tpu.memory_space<hbm>>
      tpu.enqueue_dma source(%dma_start3A_22 : memref<64x128xf32, #tpu.memory_space<hbm>>) target(%arg11 : memref<64x128xf32, #tpu.memory_space<vmem>>) target_semaphore(%arg16 : memref<!tpu.dma_semaphore, #tpu.memory_space<semaphore_mem>>)
      %mul3A_23 = arith.constant 64 : i32
      %mul3A_24 = arith.muli %mul3A_16, %mul3A_23 : i32
      %dma_wait3A = tpu.memref_slice %arg2[%mul3A_24, %mul3A_2] : memref<3200x4096xf32, #tpu.memory_space<hbm>> -> memref<64x128xf32, #tpu.memory_space<hbm>>
      %dma_wait3A_25 = tpu.memref_slice %arg2[%mul3A_24, %mul3A_2] : memref<3200x4096xf32, #tpu.memory_space<hbm>> -> memref<64x128xf32, #tpu.memory_space<hbm>>
      tpu.wait_dma2 semaphore(%arg15 : memref<!tpu.dma_semaphore, #tpu.memory_space<semaphore_mem>>) src(%dma_wait3A_25 : memref<64x128xf32, #tpu.memory_space<hbm>>) dst(%arg10 : memref<64x128xf32, #tpu.memory_space<vmem>>)
      %broadcast_in_dim3A_26 = vector.broadcast %mul3A_16 : i32 to vector<16xi32>
      %scan3A_27 = arith.constant 0 : i32
      %scan3A_28 = arith.constant 8 : i32
      %scan3A_29 = arith.addi %scan3A_27, %scan3A_28 : i32
      %scan3A_30 = arith.constant 1 : i32
      %scan3A_31 = scf.for %scan3A_50 = %scan3A_27 to %scan3A_29 step %scan3A_30 iter_args(%scan3A_51 = %scan3A_14) -> (vector<16xf32>)  : i32 {
        %mul3A_52 = arith.constant 16 : i32
        %mul3A_53 = arith.muli %scan3A_50, %mul3A_52 : i32
        %add3A_54 = vector.broadcast %mul3A_53 : i32 to vector<16xi32>
        %add3A_55 = arith.addi %add3A_54, %iota3A : vector<16xi32>
        %gather3A = tpu.vector_load_idx %arg12[%broadcast_in_dim3A_26, %add3A_55] : memref<50x128xi32, #tpu.memory_space<vmem>>[vector<16xi32>, vector<16xi32>], vector<16xi32>,
        %mul3A_56 = arith.constant 64 : i32
        %mul3A_57 = vector.broadcast %mul3A_56 : i32 to vector<16xi32>
        %mul3A_58 = arith.muli %gather3A, %mul3A_57 : vector<16xi32>
        %add3A_59 = arith.constant 0 : i32
        %add3A_60 = vector.broadcast %add3A_59 : i32 to vector<16xi32>
        %add3A_61 = arith.addi %broadcast_in_dim3A_26, %add3A_60 : vector<16xi32>
        %gather3A_62 = tpu.vector_load_idx %arg13[%add3A_61, %add3A_55] : memref<250x128xi32, #tpu.memory_space<vmem>>[vector<16xi32>, vector<16xi32>], vector<16xi32>,
        %mul3A_63 = arith.constant 64 : i32
        %mul3A_64 = vector.broadcast %mul3A_63 : i32 to vector<16xi32>
        %mul3A_65 = arith.muli %gather3A_62, %mul3A_64 : vector<16xi32>
        %add3A_66 = arith.constant 50 : i32
        %add3A_67 = vector.broadcast %add3A_66 : i32 to vector<16xi32>
        %add3A_68 = arith.addi %broadcast_in_dim3A_26, %add3A_67 : vector<16xi32>
        %gather3A_69 = tpu.vector_load_idx %arg13[%add3A_68, %add3A_55] : memref<250x128xi32, #tpu.memory_space<vmem>>[vector<16xi32>, vector<16xi32>], vector<16xi32>,
        %mul3A_70 = arith.constant 64 : i32
        %mul3A_71 = vector.broadcast %mul3A_70 : i32 to vector<16xi32>
        %mul3A_72 = arith.muli %gather3A_69, %mul3A_71 : vector<16xi32>
        %add3A_73 = arith.constant 100 : i32
        %add3A_74 = vector.broadcast %add3A_73 : i32 to vector<16xi32>
        %add3A_75 = arith.addi %broadcast_in_dim3A_26, %add3A_74 : vector<16xi32>
        %gather3A_76 = tpu.vector_load_idx %arg13[%add3A_75, %add3A_55] : memref<250x128xi32, #tpu.memory_space<vmem>>[vector<16xi32>, vector<16xi32>], vector<16xi32>,
        %mul3A_77 = arith.constant 64 : i32
        %mul3A_78 = vector.broadcast %mul3A_77 : i32 to vector<16xi32>
        %mul3A_79 = arith.muli %gather3A_76, %mul3A_78 : vector<16xi32>
        %add3A_80 = arith.constant 150 : i32
        %add3A_81 = vector.broadcast %add3A_80 : i32 to vector<16xi32>
        %add3A_82 = arith.addi %broadcast_in_dim3A_26, %add3A_81 : vector<16xi32>
        %gather3A_83 = tpu.vector_load_idx %arg13[%add3A_82, %add3A_55] : memref<250x128xi32, #tpu.memory_space<vmem>>[vector<16xi32>, vector<16xi32>], vector<16xi32>,
        %mul3A_84 = arith.constant 64 : i32
        %mul3A_85 = vector.broadcast %mul3A_84 : i32 to vector<16xi32>
        %mul3A_86 = arith.muli %gather3A_83, %mul3A_85 : vector<16xi32>
        %add3A_87 = arith.constant 200 : i32
        %add3A_88 = vector.broadcast %add3A_87 : i32 to vector<16xi32>
        %add3A_89 = arith.addi %broadcast_in_dim3A_26, %add3A_88 : vector<16xi32>
        %gather3A_90 = tpu.vector_load_idx %arg13[%add3A_89, %add3A_55] : memref<250x128xi32, #tpu.memory_space<vmem>>[vector<16xi32>, vector<16xi32>], vector<16xi32>,
        %mul3A_91 = arith.constant 64 : i32
        %mul3A_92 = vector.broadcast %mul3A_91 : i32 to vector<16xi32>
        %mul3A_93 = arith.muli %gather3A_90, %mul3A_92 : vector<16xi32>
        %broadcast_in_dim3A_94 = arith.constant 0.000000e+00 : f32
        %broadcast_in_dim3A_95 = vector.broadcast %broadcast_in_dim3A_94 : f32 to vector<16xf32>
        %scan3A_96 = arith.constant 0 : i32
        %scan3A_97 = arith.constant 64 : i32
        %scan3A_98 = arith.addi %scan3A_96, %scan3A_97 : i32
        %scan3A_99 = arith.constant 4 : i32
        %scan3A_100:7 = scf.for %scan3A_263 = %scan3A_96 to %scan3A_98 step %scan3A_99 iter_args(%scan3A_264 = %iota3A, %scan3A_265 = %broadcast_in_dim3A_95, %scan3A_266 = %broadcast_in_dim3A_95, %scan3A_267 = %broadcast_in_dim3A_95, %scan3A_268 = %broadcast_in_dim3A_95, %scan3A_269 = %broadcast_in_dim3A_95, %scan3A_270 = %broadcast_in_dim3A_95) -> (vector<16xi32>, vector<16xf32>, vector<16xf32>, vector<16xf32>, vector<16xf32>, vector<16xf32>, vector<16xf32>)  : i32 {
          %gather3A_271 = tpu.vector_load_idx %arg10[%scan3A_264, %add3A_55] : memref<64x128xf32, #tpu.memory_space<vmem>>[vector<16xi32>, vector<16xi32>], vector<16xf32>,
          %add3A_272 = arith.addi %mul3A_58, %scan3A_264 : vector<16xi32>
          %gather3A_273 = tpu.vector_load_idx %arg8[%add3A_272] : memref<64000xf32, #tpu.memory_space<vmem>>[vector<16xi32>], vector<16xf32>,
          %mul3A_274 = arith.mulf %gather3A_273, %gather3A_271 : vector<16xf32>
          %add3A_275 = arith.addf %scan3A_265, %mul3A_274 : vector<16xf32>
          %add3A_276 = arith.addi %mul3A_65, %scan3A_264 : vector<16xi32>
          %gather3A_277 = tpu.vector_load_idx %arg8[%add3A_276] : memref<64000xf32, #tpu.memory_space<vmem>>[vector<16xi32>], vector<16xf32>,
          %mul3A_278 = arith.mulf %gather3A_277, %gather3A_271 : vector<16xf32>
          %add3A_279 = arith.addf %scan3A_266, %mul3A_278 : vector<16xf32>
          %add3A_280 = arith.addi %mul3A_72, %scan3A_264 : vector<16xi32>
          %gather3A_281 = tpu.vector_load_idx %arg8[%add3A_280] : memref<64000xf32, #tpu.memory_space<vmem>>[vector<16xi32>], vector<16xf32>,
          %mul3A_282 = arith.mulf %gather3A_281, %gather3A_271 : vector<16xf32>
          %add3A_283 = arith.addf %scan3A_267, %mul3A_282 : vector<16xf32>
          %add3A_284 = arith.addi %mul3A_79, %scan3A_264 : vector<16xi32>
          %gather3A_285 = tpu.vector_load_idx %arg8[%add3A_284] : memref<64000xf32, #tpu.memory_space<vmem>>[vector<16xi32>], vector<16xf32>,
          %mul3A_286 = arith.mulf %gather3A_285, %gather3A_271 : vector<16xf32>
          %add3A_287 = arith.addf %scan3A_268, %mul3A_286 : vector<16xf32>
          %add3A_288 = arith.addi %mul3A_86, %scan3A_264 : vector<16xi32>
          %gather3A_289 = tpu.vector_load_idx %arg8[%add3A_288] : memref<64000xf32, #tpu.memory_space<vmem>>[vector<16xi32>], vector<16xf32>,
          %mul3A_290 = arith.mulf %gather3A_289, %gather3A_271 : vector<16xf32>
          %add3A_291 = arith.addf %scan3A_269, %mul3A_290 : vector<16xf32>
          %add3A_292 = arith.addi %mul3A_93, %scan3A_264 : vector<16xi32>
          %gather3A_293 = tpu.vector_load_idx %arg8[%add3A_292] : memref<64000xf32, #tpu.memory_space<vmem>>[vector<16xi32>], vector<16xf32>,
          %mul3A_294 = arith.mulf %gather3A_293, %gather3A_271 : vector<16xf32>
          %add3A_295 = arith.addf %scan3A_270, %mul3A_294 : vector<16xf32>
          %add3A_296 = arith.constant 1 : i32
          %add3A_297 = vector.broadcast %add3A_296 : i32 to vector<16xi32>
          %add3A_298 = arith.addi %scan3A_264, %add3A_297 : vector<16xi32>
          %and3A = arith.constant 63 : i32
          %and3A_299 = vector.broadcast %and3A : i32 to vector<16xi32>
          %and3A_300 = arith.andi %add3A_298, %and3A_299 : vector<16xi32>
          %scan3A_301 = arith.constant 1 : i32
          %scan3A_302 = arith.addi %scan3A_263, %scan3A_301 : i32
          %gather3A_303 = tpu.vector_load_idx %arg10[%and3A_300, %add3A_55] : memref<64x128xf32, #tpu.memory_space<vmem>>[vector<16xi32>, vector<16xi32>], vector<16xf32>,
          %add3A_304 = arith.addi %mul3A_58, %and3A_300 : vector<16xi32>
          %gather3A_305 = tpu.vector_load_idx %arg8[%add3A_304] : memref<64000xf32, #tpu.memory_space<vmem>>[vector<16xi32>], vector<16xf32>,
          %mul3A_306 = arith.mulf %gather3A_305, %gather3A_303 : vector<16xf32>
          %add3A_307 = arith.addf %add3A_275, %mul3A_306 : vector<16xf32>
          %add3A_308 = arith.addi %mul3A_65, %and3A_300 : vector<16xi32>
          %gather3A_309 = tpu.vector_load_idx %arg8[%add3A_308] : memref<64000xf32, #tpu.memory_space<vmem>>[vector<16xi32>], vector<16xf32>,
          %mul3A_310 = arith.mulf %gather3A_309, %gather3A_303 : vector<16xf32>
          %add3A_311 = arith.addf %add3A_279, %mul3A_310 : vector<16xf32>
          %add3A_312 = arith.addi %mul3A_72, %and3A_300 : vector<16xi32>
          %gather3A_313 = tpu.vector_load_idx %arg8[%add3A_312] : memref<64000xf32, #tpu.memory_space<vmem>>[vector<16xi32>], vector<16xf32>,
          %mul3A_314 = arith.mulf %gather3A_313, %gather3A_303 : vector<16xf32>
          %add3A_315 = arith.addf %add3A_283, %mul3A_314 : vector<16xf32>
          %add3A_316 = arith.addi %mul3A_79, %and3A_300 : vector<16xi32>
          %gather3A_317 = tpu.vector_load_idx %arg8[%add3A_316] : memref<64000xf32, #tpu.memory_space<vmem>>[vector<16xi32>], vector<16xf32>,
          %mul3A_318 = arith.mulf %gather3A_317, %gather3A_303 : vector<16xf32>
          %add3A_319 = arith.addf %add3A_287, %mul3A_318 : vector<16xf32>
          %add3A_320 = arith.addi %mul3A_86, %and3A_300 : vector<16xi32>
          %gather3A_321 = tpu.vector_load_idx %arg8[%add3A_320] : memref<64000xf32, #tpu.memory_space<vmem>>[vector<16xi32>], vector<16xf32>,
          %mul3A_322 = arith.mulf %gather3A_321, %gather3A_303 : vector<16xf32>
          %add3A_323 = arith.addf %add3A_291, %mul3A_322 : vector<16xf32>
          %add3A_324 = arith.addi %mul3A_93, %and3A_300 : vector<16xi32>
          %gather3A_325 = tpu.vector_load_idx %arg8[%add3A_324] : memref<64000xf32, #tpu.memory_space<vmem>>[vector<16xi32>], vector<16xf32>,
          %mul3A_326 = arith.mulf %gather3A_325, %gather3A_303 : vector<16xf32>
          %add3A_327 = arith.addf %add3A_295, %mul3A_326 : vector<16xf32>
          %add3A_328 = arith.constant 1 : i32
          %add3A_329 = vector.broadcast %add3A_328 : i32 to vector<16xi32>
          %add3A_330 = arith.addi %and3A_300, %add3A_329 : vector<16xi32>
          %and3A_331 = arith.constant 63 : i32
          %and3A_332 = vector.broadcast %and3A_331 : i32 to vector<16xi32>
          %and3A_333 = arith.andi %add3A_330, %and3A_332 : vector<16xi32>
          %scan3A_334 = arith.constant 2 : i32
          %scan3A_335 = arith.addi %scan3A_263, %scan3A_334 : i32
          %gather3A_336 = tpu.vector_load_idx %arg10[%and3A_333, %add3A_55] : memref<64x128xf32, #tpu.memory_space<vmem>>[vector<16xi32>, vector<16xi32>], vector<16xf32>,
          %add3A_337 = arith.addi %mul3A_58, %and3A_333 : vector<16xi32>
          %gather3A_338 = tpu.vector_load_idx %arg8[%add3A_337] : memref<64000xf32, #tpu.memory_space<vmem>>[vector<16xi32>], vector<16xf32>,
          %mul3A_339 = arith.mulf %gather3A_338, %gather3A_336 : vector<16xf32>
          %add3A_340 = arith.addf %add3A_307, %mul3A_339 : vector<16xf32>
          %add3A_341 = arith.addi %mul3A_65, %and3A_333 : vector<16xi32>
          %gather3A_342 = tpu.vector_load_idx %arg8[%add3A_341] : memref<64000xf32, #tpu.memory_space<vmem>>[vector<16xi32>], vector<16xf32>,
          %mul3A_343 = arith.mulf %gather3A_342, %gather3A_336 : vector<16xf32>
          %add3A_344 = arith.addf %add3A_311, %mul3A_343 : vector<16xf32>
          %add3A_345 = arith.addi %mul3A_72, %and3A_333 : vector<16xi32>
          %gather3A_346 = tpu.vector_load_idx %arg8[%add3A_345] : memref<64000xf32, #tpu.memory_space<vmem>>[vector<16xi32>], vector<16xf32>,
          %mul3A_347 = arith.mulf %gather3A_346, %gather3A_336 : vector<16xf32>
          %add3A_348 = arith.addf %add3A_315, %mul3A_347 : vector<16xf32>
          %add3A_349 = arith.addi %mul3A_79, %and3A_333 : vector<16xi32>
          %gather3A_350 = tpu.vector_load_idx %arg8[%add3A_349] : memref<64000xf32, #tpu.memory_space<vmem>>[vector<16xi32>], vector<16xf32>,
          %mul3A_351 = arith.mulf %gather3A_350, %gather3A_336 : vector<16xf32>
          %add3A_352 = arith.addf %add3A_319, %mul3A_351 : vector<16xf32>
          %add3A_353 = arith.addi %mul3A_86, %and3A_333 : vector<16xi32>
          %gather3A_354 = tpu.vector_load_idx %arg8[%add3A_353] : memref<64000xf32, #tpu.memory_space<vmem>>[vector<16xi32>], vector<16xf32>,
          %mul3A_355 = arith.mulf %gather3A_354, %gather3A_336 : vector<16xf32>
          %add3A_356 = arith.addf %add3A_323, %mul3A_355 : vector<16xf32>
          %add3A_357 = arith.addi %mul3A_93, %and3A_333 : vector<16xi32>
          %gather3A_358 = tpu.vector_load_idx %arg8[%add3A_357] : memref<64000xf32, #tpu.memory_space<vmem>>[vector<16xi32>], vector<16xf32>,
          %mul3A_359 = arith.mulf %gather3A_358, %gather3A_336 : vector<16xf32>
          %add3A_360 = arith.addf %add3A_327, %mul3A_359 : vector<16xf32>
          %add3A_361 = arith.constant 1 : i32
          %add3A_362 = vector.broadcast %add3A_361 : i32 to vector<16xi32>
          %add3A_363 = arith.addi %and3A_333, %add3A_362 : vector<16xi32>
          %and3A_364 = arith.constant 63 : i32
          %and3A_365 = vector.broadcast %and3A_364 : i32 to vector<16xi32>
          %and3A_366 = arith.andi %add3A_363, %and3A_365 : vector<16xi32>
          %scan3A_367 = arith.constant 3 : i32
          %scan3A_368 = arith.addi %scan3A_263, %scan3A_367 : i32
          %gather3A_369 = tpu.vector_load_idx %arg10[%and3A_366, %add3A_55] : memref<64x128xf32, #tpu.memory_space<vmem>>[vector<16xi32>, vector<16xi32>], vector<16xf32>,
          %add3A_370 = arith.addi %mul3A_58, %and3A_366 : vector<16xi32>
          %gather3A_371 = tpu.vector_load_idx %arg8[%add3A_370] : memref<64000xf32, #tpu.memory_space<vmem>>[vector<16xi32>], vector<16xf32>,
          %mul3A_372 = arith.mulf %gather3A_371, %gather3A_369 : vector<16xf32>
          %add3A_373 = arith.addf %add3A_340, %mul3A_372 : vector<16xf32>
          %add3A_374 = arith.addi %mul3A_65, %and3A_366 : vector<16xi32>
          %gather3A_375 = tpu.vector_load_idx %arg8[%add3A_374] : memref<64000xf32, #tpu.memory_space<vmem>>[vector<16xi32>], vector<16xf32>,
          %mul3A_376 = arith.mulf %gather3A_375, %gather3A_369 : vector<16xf32>
          %add3A_377 = arith.addf %add3A_344, %mul3A_376 : vector<16xf32>
          %add3A_378 = arith.addi %mul3A_72, %and3A_366 : vector<16xi32>
          %gather3A_379 = tpu.vector_load_idx %arg8[%add3A_378] : memref<64000xf32, #tpu.memory_space<vmem>>[vector<16xi32>], vector<16xf32>,
          %mul3A_380 = arith.mulf %gather3A_379, %gather3A_369 : vector<16xf32>
          %add3A_381 = arith.addf %add3A_348, %mul3A_380 : vector<16xf32>
          %add3A_382 = arith.addi %mul3A_79, %and3A_366 : vector<16xi32>
          %gather3A_383 = tpu.vector_load_idx %arg8[%add3A_382] : memref<64000xf32, #tpu.memory_space<vmem>>[vector<16xi32>], vector<16xf32>,
          %mul3A_384 = arith.mulf %gather3A_383, %gather3A_369 : vector<16xf32>
          %add3A_385 = arith.addf %add3A_352, %mul3A_384 : vector<16xf32>
          %add3A_386 = arith.addi %mul3A_86, %and3A_366 : vector<16xi32>
          %gather3A_387 = tpu.vector_load_idx %arg8[%add3A_386] : memref<64000xf32, #tpu.memory_space<vmem>>[vector<16xi32>], vector<16xf32>,
          %mul3A_388 = arith.mulf %gather3A_387, %gather3A_369 : vector<16xf32>
          %add3A_389 = arith.addf %add3A_356, %mul3A_388 : vector<16xf32>
          %add3A_390 = arith.addi %mul3A_93, %and3A_366 : vector<16xi32>
          %gather3A_391 = tpu.vector_load_idx %arg8[%add3A_390] : memref<64000xf32, #tpu.memory_space<vmem>>[vector<16xi32>], vector<16xf32>,
          %mul3A_392 = arith.mulf %gather3A_391, %gather3A_369 : vector<16xf32>
          %add3A_393 = arith.addf %add3A_360, %mul3A_392 : vector<16xf32>
          %add3A_394 = arith.constant 1 : i32
          %add3A_395 = vector.broadcast %add3A_394 : i32 to vector<16xi32>
          %add3A_396 = arith.addi %and3A_366, %add3A_395 : vector<16xi32>
          %and3A_397 = arith.constant 63 : i32
          %and3A_398 = vector.broadcast %and3A_397 : i32 to vector<16xi32>
          %and3A_399 = arith.andi %add3A_396, %and3A_398 : vector<16xi32>
          scf.yield %and3A_399, %add3A_373, %add3A_377, %add3A_381, %add3A_385, %add3A_389, %add3A_393 : vector<16xi32>, vector<16xf32>, vector<16xf32>, vector<16xf32>, vector<16xf32>, vector<16xf32>, vector<16xf32>
        }
        %scan3A_101 = arith.constant 64 : i32
        %max3A = arith.constant -1.600000e+01 : f32
        %max3A_102 = vector.broadcast %max3A : f32 to vector<16xf32>
        %max3A_103 = arith.maximumf %scan3A_100#1, %max3A_102 : vector<16xf32>
        %min3A = arith.constant 1.600000e+01 : f32
        %min3A_104 = vector.broadcast %min3A : f32 to vector<16xf32>
        %min3A_105 = arith.minimumf %max3A_103, %min3A_104 : vector<16xf32>
        %sub3A = arith.constant -1.600000e+01 : f32
        %sub3A_106 = vector.broadcast %sub3A : f32 to vector<16xf32>
        %sub3A_107 = arith.subf %min3A_105, %sub3A_106 : vector<16xf32>
        %mul3A_108 = arith.constant 3.200000e+01 : f32
        %mul3A_109 = vector.broadcast %mul3A_108 : f32 to vector<16xf32>
        %mul3A_110 = arith.mulf %sub3A_107, %mul3A_109 : vector<16xf32>
        %convert_element_type3A_111 = arith.fptosi %mul3A_110 : vector<16xf32> to vector<16xi32>
        %min3A_112 = arith.constant 1023 : i32
        %min3A_113 = vector.broadcast %min3A_112 : i32 to vector<16xi32>
        %min3A_114 = arith.minsi %convert_element_type3A_111, %min3A_113 : vector<16xi32>
        %sub3A_115 = arith.constant -1.600000e+01 : f32
        %sub3A_116 = vector.broadcast %sub3A_115 : f32 to vector<16xf32>
        %sub3A_117 = arith.subf %scan3A_100#1, %sub3A_116 : vector<16xf32>
        %min3A_118 = arith.constant 0.000000e+00 : f32
        %min3A_119 = vector.broadcast %min3A_118 : f32 to vector<16xf32>
        %min3A_120 = arith.minimumf %sub3A_117, %min3A_119 : vector<16xf32>
        %gather3A_121 = tpu.vector_load_idx %arg9[%min3A_114] : memref<1024xf32, #tpu.memory_space<vmem>>[vector<16xi32>], vector<16xf32>,
        %add3A_122 = arith.addf %gather3A_121, %min3A_120 : vector<16xf32>
        %add3A_123 = arith.addf %scan3A_51, %add3A_122 : vector<16xf32>
        %neg3A = arith.constant 0.000000e+00 : f32
        %neg3A_124 = vector.broadcast %neg3A : f32 to vector<16xf32>
        %neg3A_125 = arith.subf %neg3A_124, %scan3A_100#2 : vector<16xf32>
        %max3A_126 = arith.constant -1.600000e+01 : f32
        %max3A_127 = vector.broadcast %max3A_126 : f32 to vector<16xf32>
        %max3A_128 = arith.maximumf %neg3A_125, %max3A_127 : vector<16xf32>
        %min3A_129 = arith.constant 1.600000e+01 : f32
        %min3A_130 = vector.broadcast %min3A_129 : f32 to vector<16xf32>
        %min3A_131 = arith.minimumf %max3A_128, %min3A_130 : vector<16xf32>
        %sub3A_132 = arith.constant -1.600000e+01 : f32
        %sub3A_133 = vector.broadcast %sub3A_132 : f32 to vector<16xf32>
        %sub3A_134 = arith.subf %min3A_131, %sub3A_133 : vector<16xf32>
        %mul3A_135 = arith.constant 3.200000e+01 : f32
        %mul3A_136 = vector.broadcast %mul3A_135 : f32 to vector<16xf32>
        %mul3A_137 = arith.mulf %sub3A_134, %mul3A_136 : vector<16xf32>
        %convert_element_type3A_138 = arith.fptosi %mul3A_137 : vector<16xf32> to vector<16xi32>
        %min3A_139 = arith.constant 1023 : i32
        %min3A_140 = vector.broadcast %min3A_139 : i32 to vector<16xi32>
        %min3A_141 = arith.minsi %convert_element_type3A_138, %min3A_140 : vector<16xi32>
        %sub3A_142 = arith.constant -1.600000e+01 : f32
        %sub3A_143 = vector.broadcast %sub3A_142 : f32 to vector<16xf32>
        %sub3A_144 = arith.subf %neg3A_125, %sub3A_143 : vector<16xf32>
        %min3A_145 = arith.constant 0.000000e+00 : f32
        %min3A_146 = vector.broadcast %min3A_145 : f32 to vector<16xf32>
        %min3A_147 = arith.minimumf %sub3A_144, %min3A_146 : vector<16xf32>
        %gather3A_148 = tpu.vector_load_idx %arg9[%min3A_141] : memref<1024xf32, #tpu.memory_space<vmem>>[vector<16xi32>], vector<16xf32>,
        %add3A_149 = arith.addf %gather3A_148, %min3A_147 : vector<16xf32>
        %add3A_150 = arith.addf %add3A_123, %add3A_149 : vector<16xf32>
        %neg3A_151 = arith.constant 0.000000e+00 : f32
        %neg3A_152 = vector.broadcast %neg3A_151 : f32 to vector<16xf32>
        %neg3A_153 = arith.subf %neg3A_152, %scan3A_100#3 : vector<16xf32>
        %max3A_154 = arith.constant -1.600000e+01 : f32
        %max3A_155 = vector.broadcast %max3A_154 : f32 to vector<16xf32>
        %max3A_156 = arith.maximumf %neg3A_153, %max3A_155 : vector<16xf32>
        %min3A_157 = arith.constant 1.600000e+01 : f32
        %min3A_158 = vector.broadcast %min3A_157 : f32 to vector<16xf32>
        %min3A_159 = arith.minimumf %max3A_156, %min3A_158 : vector<16xf32>
        %sub3A_160 = arith.constant -1.600000e+01 : f32
        %sub3A_161 = vector.broadcast %sub3A_160 : f32 to vector<16xf32>
        %sub3A_162 = arith.subf %min3A_159, %sub3A_161 : vector<16xf32>
        %mul3A_163 = arith.constant 3.200000e+01 : f32
        %mul3A_164 = vector.broadcast %mul3A_163 : f32 to vector<16xf32>
        %mul3A_165 = arith.mulf %sub3A_162, %mul3A_164 : vector<16xf32>
        %convert_element_type3A_166 = arith.fptosi %mul3A_165 : vector<16xf32> to vector<16xi32>
        %min3A_167 = arith.constant 1023 : i32
        %min3A_168 = vector.broadcast %min3A_167 : i32 to vector<16xi32>
        %min3A_169 = arith.minsi %convert_element_type3A_166, %min3A_168 : vector<16xi32>
        %sub3A_170 = arith.constant -1.600000e+01 : f32
        %sub3A_171 = vector.broadcast %sub3A_170 : f32 to vector<16xf32>
        %sub3A_172 = arith.subf %neg3A_153, %sub3A_171 : vector<16xf32>
        %min3A_173 = arith.constant 0.000000e+00 : f32
        %min3A_174 = vector.broadcast %min3A_173 : f32 to vector<16xf32>
        %min3A_175 = arith.minimumf %sub3A_172, %min3A_174 : vector<16xf32>
        %gather3A_176 = tpu.vector_load_idx %arg9[%min3A_169] : memref<1024xf32, #tpu.memory_space<vmem>>[vector<16xi32>], vector<16xf32>,
        %add3A_177 = arith.addf %gather3A_176, %min3A_175 : vector<16xf32>
        %add3A_178 = arith.addf %add3A_150, %add3A_177 : vector<16xf32>
        %neg3A_179 = arith.constant 0.000000e+00 : f32
        %neg3A_180 = vector.broadcast %neg3A_179 : f32 to vector<16xf32>
        %neg3A_181 = arith.subf %neg3A_180, %scan3A_100#4 : vector<16xf32>
        %max3A_182 = arith.constant -1.600000e+01 : f32
        %max3A_183 = vector.broadcast %max3A_182 : f32 to vector<16xf32>
        %max3A_184 = arith.maximumf %neg3A_181, %max3A_183 : vector<16xf32>
        %min3A_185 = arith.constant 1.600000e+01 : f32
        %min3A_186 = vector.broadcast %min3A_185 : f32 to vector<16xf32>
        %min3A_187 = arith.minimumf %max3A_184, %min3A_186 : vector<16xf32>
        %sub3A_188 = arith.constant -1.600000e+01 : f32
        %sub3A_189 = vector.broadcast %sub3A_188 : f32 to vector<16xf32>
        %sub3A_190 = arith.subf %min3A_187, %sub3A_189 : vector<16xf32>
        %mul3A_191 = arith.constant 3.200000e+01 : f32
        %mul3A_192 = vector.broadcast %mul3A_191 : f32 to vector<16xf32>
        %mul3A_193 = arith.mulf %sub3A_190, %mul3A_192 : vector<16xf32>
        %convert_element_type3A_194 = arith.fptosi %mul3A_193 : vector<16xf32> to vector<16xi32>
        %min3A_195 = arith.constant 1023 : i32
        %min3A_196 = vector.broadcast %min3A_195 : i32 to vector<16xi32>
        %min3A_197 = arith.minsi %convert_element_type3A_194, %min3A_196 : vector<16xi32>
        %sub3A_198 = arith.constant -1.600000e+01 : f32
        %sub3A_199 = vector.broadcast %sub3A_198 : f32 to vector<16xf32>
        %sub3A_200 = arith.subf %neg3A_181, %sub3A_199 : vector<16xf32>
        %min3A_201 = arith.constant 0.000000e+00 : f32
        %min3A_202 = vector.broadcast %min3A_201 : f32 to vector<16xf32>
        %min3A_203 = arith.minimumf %sub3A_200, %min3A_202 : vector<16xf32>
        %gather3A_204 = tpu.vector_load_idx %arg9[%min3A_197] : memref<1024xf32, #tpu.memory_space<vmem>>[vector<16xi32>], vector<16xf32>,
        %add3A_205 = arith.addf %gather3A_204, %min3A_203 : vector<16xf32>
        %add3A_206 = arith.addf %add3A_178, %add3A_205 : vector<16xf32>
        %neg3A_207 = arith.constant 0.000000e+00 : f32
        %neg3A_208 = vector.broadcast %neg3A_207 : f32 to vector<16xf32>
        %neg3A_209 = arith.subf %neg3A_208, %scan3A_100#5 : vector<16xf32>
        %max3A_210 = arith.constant -1.600000e+01 : f32
        %max3A_211 = vector.broadcast %max3A_210 : f32 to vector<16xf32>
        %max3A_212 = arith.maximumf %neg3A_209, %max3A_211 : vector<16xf32>
        %min3A_213 = arith.constant 1.600000e+01 : f32
        %min3A_214 = vector.broadcast %min3A_213 : f32 to vector<16xf32>
        %min3A_215 = arith.minimumf %max3A_212, %min3A_214 : vector<16xf32>
        %sub3A_216 = arith.constant -1.600000e+01 : f32
        %sub3A_217 = vector.broadcast %sub3A_216 : f32 to vector<16xf32>
        %sub3A_218 = arith.subf %min3A_215, %sub3A_217 : vector<16xf32>
        %mul3A_219 = arith.constant 3.200000e+01 : f32
        %mul3A_220 = vector.broadcast %mul3A_219 : f32 to vector<16xf32>
        %mul3A_221 = arith.mulf %sub3A_218, %mul3A_220 : vector<16xf32>
        %convert_element_type3A_222 = arith.fptosi %mul3A_221 : vector<16xf32> to vector<16xi32>
        %min3A_223 = arith.constant 1023 : i32
        %min3A_224 = vector.broadcast %min3A_223 : i32 to vector<16xi32>
        %min3A_225 = arith.minsi %convert_element_type3A_222, %min3A_224 : vector<16xi32>
        %sub3A_226 = arith.constant -1.600000e+01 : f32
        %sub3A_227 = vector.broadcast %sub3A_226 : f32 to vector<16xf32>
        %sub3A_228 = arith.subf %neg3A_209, %sub3A_227 : vector<16xf32>
        %min3A_229 = arith.constant 0.000000e+00 : f32
        %min3A_230 = vector.broadcast %min3A_229 : f32 to vector<16xf32>
        %min3A_231 = arith.minimumf %sub3A_228, %min3A_230 : vector<16xf32>
        %gather3A_232 = tpu.vector_load_idx %arg9[%min3A_225] : memref<1024xf32, #tpu.memory_space<vmem>>[vector<16xi32>], vector<16xf32>,
        %add3A_233 = arith.addf %gather3A_232, %min3A_231 : vector<16xf32>
        %add3A_234 = arith.addf %add3A_206, %add3A_233 : vector<16xf32>
        %neg3A_235 = arith.constant 0.000000e+00 : f32
        %neg3A_236 = vector.broadcast %neg3A_235 : f32 to vector<16xf32>
        %neg3A_237 = arith.subf %neg3A_236, %scan3A_100#6 : vector<16xf32>
        %max3A_238 = arith.constant -1.600000e+01 : f32
        %max3A_239 = vector.broadcast %max3A_238 : f32 to vector<16xf32>
        %max3A_240 = arith.maximumf %neg3A_237, %max3A_239 : vector<16xf32>
        %min3A_241 = arith.constant 1.600000e+01 : f32
        %min3A_242 = vector.broadcast %min3A_241 : f32 to vector<16xf32>
        %min3A_243 = arith.minimumf %max3A_240, %min3A_242 : vector<16xf32>
        %sub3A_244 = arith.constant -1.600000e+01 : f32
        %sub3A_245 = vector.broadcast %sub3A_244 : f32 to vector<16xf32>
        %sub3A_246 = arith.subf %min3A_243, %sub3A_245 : vector<16xf32>
        %mul3A_247 = arith.constant 3.200000e+01 : f32
        %mul3A_248 = vector.broadcast %mul3A_247 : f32 to vector<16xf32>
        %mul3A_249 = arith.mulf %sub3A_246, %mul3A_248 : vector<16xf32>
        %convert_element_type3A_250 = arith.fptosi %mul3A_249 : vector<16xf32> to vector<16xi32>
        %min3A_251 = arith.constant 1023 : i32
        %min3A_252 = vector.broadcast %min3A_251 : i32 to vector<16xi32>
        %min3A_253 = arith.minsi %convert_element_type3A_250, %min3A_252 : vector<16xi32>
        %sub3A_254 = arith.constant -1.600000e+01 : f32
        %sub3A_255 = vector.broadcast %sub3A_254 : f32 to vector<16xf32>
        %sub3A_256 = arith.subf %neg3A_237, %sub3A_255 : vector<16xf32>
        %min3A_257 = arith.constant 0.000000e+00 : f32
        %min3A_258 = vector.broadcast %min3A_257 : f32 to vector<16xf32>
        %min3A_259 = arith.minimumf %sub3A_256, %min3A_258 : vector<16xf32>
        %gather3A_260 = tpu.vector_load_idx %arg9[%min3A_253] : memref<1024xf32, #tpu.memory_space<vmem>>[vector<16xi32>], vector<16xf32>,
        %add3A_261 = arith.addf %gather3A_260, %min3A_259 : vector<16xf32>
        %add3A_262 = arith.addf %add3A_234, %add3A_261 : vector<16xf32>
        scf.yield %add3A_262 : vector<16xf32>
      }
      %scan3A_32 = arith.constant 8 : i32
      %lt3A = arith.constant 24 : i32
      %lt3A_33 = arith.cmpi slt, %scan3A_13, %lt3A : i32
      %convert_element_type3A = arith.extui %lt3A_33 : i1 to i32
      %cond3A = arith.constant 0 : i32
      %cond3A_34 = arith.cmpi ne, %convert_element_type3A, %cond3A : i32
      scf.if %cond3A_34 {
        %add3A_50 = arith.constant 2 : i32
        %add3A_51 = arith.addi %mul3A_16, %add3A_50 : i32
        %mul3A_52 = arith.constant 64 : i32
        %mul3A_53 = arith.muli %add3A_51, %mul3A_52 : i32
        %dma_start3A_54 = tpu.memref_slice %arg2[%mul3A_53, %mul3A_2] : memref<3200x4096xf32, #tpu.memory_space<hbm>> -> memref<64x128xf32, #tpu.memory_space<hbm>>
        %dma_start3A_55 = tpu.memref_slice %arg2[%mul3A_53, %mul3A_2] : memref<3200x4096xf32, #tpu.memory_space<hbm>> -> memref<64x128xf32, #tpu.memory_space<hbm>>
        tpu.enqueue_dma source(%dma_start3A_55 : memref<64x128xf32, #tpu.memory_space<hbm>>) target(%arg10 : memref<64x128xf32, #tpu.memory_space<vmem>>) target_semaphore(%arg15 : memref<!tpu.dma_semaphore, #tpu.memory_space<semaphore_mem>>)
      } else {
      }
      %add3A_35 = arith.constant 1 : i32
      %add3A_36 = arith.addi %mul3A_16, %add3A_35 : i32
      %mul3A_37 = arith.constant 64 : i32
      %mul3A_38 = arith.muli %add3A_36, %mul3A_37 : i32
      %dma_wait3A_39 = tpu.memref_slice %arg2[%mul3A_38, %mul3A_2] : memref<3200x4096xf32, #tpu.memory_space<hbm>> -> memref<64x128xf32, #tpu.memory_space<hbm>>
      %dma_wait3A_40 = tpu.memref_slice %arg2[%mul3A_38, %mul3A_2] : memref<3200x4096xf32, #tpu.memory_space<hbm>> -> memref<64x128xf32, #tpu.memory_space<hbm>>
      tpu.wait_dma2 semaphore(%arg16 : memref<!tpu.dma_semaphore, #tpu.memory_space<semaphore_mem>>) src(%dma_wait3A_40 : memref<64x128xf32, #tpu.memory_space<hbm>>) dst(%arg11 : memref<64x128xf32, #tpu.memory_space<vmem>>)
      %add3A_41 = arith.constant 1 : i32
      %add3A_42 = arith.addi %mul3A_16, %add3A_41 : i32
      %broadcast_in_dim3A_43 = vector.broadcast %add3A_42 : i32 to vector<16xi32>
      %scan3A_44 = arith.constant 0 : i32
      %scan3A_45 = arith.constant 8 : i32
      %scan3A_46 = arith.addi %scan3A_44, %scan3A_45 : i32
      %scan3A_47 = arith.constant 1 : i32
      %scan3A_48 = scf.for %scan3A_50 = %scan3A_44 to %scan3A_46 step %scan3A_47 iter_args(%scan3A_51 = %scan3A_31) -> (vector<16xf32>)  : i32 {
        %mul3A_52 = arith.constant 16 : i32
        %mul3A_53 = arith.muli %scan3A_50, %mul3A_52 : i32
        %add3A_54 = vector.broadcast %mul3A_53 : i32 to vector<16xi32>
        %add3A_55 = arith.addi %add3A_54, %iota3A : vector<16xi32>
        %gather3A = tpu.vector_load_idx %arg12[%broadcast_in_dim3A_43, %add3A_55] : memref<50x128xi32, #tpu.memory_space<vmem>>[vector<16xi32>, vector<16xi32>], vector<16xi32>,
        %mul3A_56 = arith.constant 64 : i32
        %mul3A_57 = vector.broadcast %mul3A_56 : i32 to vector<16xi32>
        %mul3A_58 = arith.muli %gather3A, %mul3A_57 : vector<16xi32>
        %add3A_59 = arith.constant 0 : i32
        %add3A_60 = vector.broadcast %add3A_59 : i32 to vector<16xi32>
        %add3A_61 = arith.addi %broadcast_in_dim3A_43, %add3A_60 : vector<16xi32>
        %gather3A_62 = tpu.vector_load_idx %arg13[%add3A_61, %add3A_55] : memref<250x128xi32, #tpu.memory_space<vmem>>[vector<16xi32>, vector<16xi32>], vector<16xi32>,
        %mul3A_63 = arith.constant 64 : i32
        %mul3A_64 = vector.broadcast %mul3A_63 : i32 to vector<16xi32>
        %mul3A_65 = arith.muli %gather3A_62, %mul3A_64 : vector<16xi32>
        %add3A_66 = arith.constant 50 : i32
        %add3A_67 = vector.broadcast %add3A_66 : i32 to vector<16xi32>
        %add3A_68 = arith.addi %broadcast_in_dim3A_43, %add3A_67 : vector<16xi32>
        %gather3A_69 = tpu.vector_load_idx %arg13[%add3A_68, %add3A_55] : memref<250x128xi32, #tpu.memory_space<vmem>>[vector<16xi32>, vector<16xi32>], vector<16xi32>,
        %mul3A_70 = arith.constant 64 : i32
        %mul3A_71 = vector.broadcast %mul3A_70 : i32 to vector<16xi32>
        %mul3A_72 = arith.muli %gather3A_69, %mul3A_71 : vector<16xi32>
        %add3A_73 = arith.constant 100 : i32
        %add3A_74 = vector.broadcast %add3A_73 : i32 to vector<16xi32>
        %add3A_75 = arith.addi %broadcast_in_dim3A_43, %add3A_74 : vector<16xi32>
        %gather3A_76 = tpu.vector_load_idx %arg13[%add3A_75, %add3A_55] : memref<250x128xi32, #tpu.memory_space<vmem>>[vector<16xi32>, vector<16xi32>], vector<16xi32>,
        %mul3A_77 = arith.constant 64 : i32
        %mul3A_78 = vector.broadcast %mul3A_77 : i32 to vector<16xi32>
        %mul3A_79 = arith.muli %gather3A_76, %mul3A_78 : vector<16xi32>
        %add3A_80 = arith.constant 150 : i32
        %add3A_81 = vector.broadcast %add3A_80 : i32 to vector<16xi32>
        %add3A_82 = arith.addi %broadcast_in_dim3A_43, %add3A_81 : vector<16xi32>
        %gather3A_83 = tpu.vector_load_idx %arg13[%add3A_82, %add3A_55] : memref<250x128xi32, #tpu.memory_space<vmem>>[vector<16xi32>, vector<16xi32>], vector<16xi32>,
        %mul3A_84 = arith.constant 64 : i32
        %mul3A_85 = vector.broadcast %mul3A_84 : i32 to vector<16xi32>
        %mul3A_86 = arith.muli %gather3A_83, %mul3A_85 : vector<16xi32>
        %add3A_87 = arith.constant 200 : i32
        %add3A_88 = vector.broadcast %add3A_87 : i32 to vector<16xi32>
        %add3A_89 = arith.addi %broadcast_in_dim3A_43, %add3A_88 : vector<16xi32>
        %gather3A_90 = tpu.vector_load_idx %arg13[%add3A_89, %add3A_55] : memref<250x128xi32, #tpu.memory_space<vmem>>[vector<16xi32>, vector<16xi32>], vector<16xi32>,
        %mul3A_91 = arith.constant 64 : i32
        %mul3A_92 = vector.broadcast %mul3A_91 : i32 to vector<16xi32>
        %mul3A_93 = arith.muli %gather3A_90, %mul3A_92 : vector<16xi32>
        %broadcast_in_dim3A_94 = arith.constant 0.000000e+00 : f32
        %broadcast_in_dim3A_95 = vector.broadcast %broadcast_in_dim3A_94 : f32 to vector<16xf32>
        %scan3A_96 = arith.constant 0 : i32
        %scan3A_97 = arith.constant 64 : i32
        %scan3A_98 = arith.addi %scan3A_96, %scan3A_97 : i32
        %scan3A_99 = arith.constant 4 : i32
        %scan3A_100:7 = scf.for %scan3A_263 = %scan3A_96 to %scan3A_98 step %scan3A_99 iter_args(%scan3A_264 = %iota3A, %scan3A_265 = %broadcast_in_dim3A_95, %scan3A_266 = %broadcast_in_dim3A_95, %scan3A_267 = %broadcast_in_dim3A_95, %scan3A_268 = %broadcast_in_dim3A_95, %scan3A_269 = %broadcast_in_dim3A_95, %scan3A_270 = %broadcast_in_dim3A_95) -> (vector<16xi32>, vector<16xf32>, vector<16xf32>, vector<16xf32>, vector<16xf32>, vector<16xf32>, vector<16xf32>)  : i32 {
          %gather3A_271 = tpu.vector_load_idx %arg11[%scan3A_264, %add3A_55] : memref<64x128xf32, #tpu.memory_space<vmem>>[vector<16xi32>, vector<16xi32>], vector<16xf32>,
          %add3A_272 = arith.addi %mul3A_58, %scan3A_264 : vector<16xi32>
          %gather3A_273 = tpu.vector_load_idx %arg8[%add3A_272] : memref<64000xf32, #tpu.memory_space<vmem>>[vector<16xi32>], vector<16xf32>,
          %mul3A_274 = arith.mulf %gather3A_273, %gather3A_271 : vector<16xf32>
          %add3A_275 = arith.addf %scan3A_265, %mul3A_274 : vector<16xf32>
          %add3A_276 = arith.addi %mul3A_65, %scan3A_264 : vector<16xi32>
          %gather3A_277 = tpu.vector_load_idx %arg8[%add3A_276] : memref<64000xf32, #tpu.memory_space<vmem>>[vector<16xi32>], vector<16xf32>,
          %mul3A_278 = arith.mulf %gather3A_277, %gather3A_271 : vector<16xf32>
          %add3A_279 = arith.addf %scan3A_266, %mul3A_278 : vector<16xf32>
          %add3A_280 = arith.addi %mul3A_72, %scan3A_264 : vector<16xi32>
          %gather3A_281 = tpu.vector_load_idx %arg8[%add3A_280] : memref<64000xf32, #tpu.memory_space<vmem>>[vector<16xi32>], vector<16xf32>,
          %mul3A_282 = arith.mulf %gather3A_281, %gather3A_271 : vector<16xf32>
          %add3A_283 = arith.addf %scan3A_267, %mul3A_282 : vector<16xf32>
          %add3A_284 = arith.addi %mul3A_79, %scan3A_264 : vector<16xi32>
          %gather3A_285 = tpu.vector_load_idx %arg8[%add3A_284] : memref<64000xf32, #tpu.memory_space<vmem>>[vector<16xi32>], vector<16xf32>,
          %mul3A_286 = arith.mulf %gather3A_285, %gather3A_271 : vector<16xf32>
          %add3A_287 = arith.addf %scan3A_268, %mul3A_286 : vector<16xf32>
          %add3A_288 = arith.addi %mul3A_86, %scan3A_264 : vector<16xi32>
          %gather3A_289 = tpu.vector_load_idx %arg8[%add3A_288] : memref<64000xf32, #tpu.memory_space<vmem>>[vector<16xi32>], vector<16xf32>,
          %mul3A_290 = arith.mulf %gather3A_289, %gather3A_271 : vector<16xf32>
          %add3A_291 = arith.addf %scan3A_269, %mul3A_290 : vector<16xf32>
          %add3A_292 = arith.addi %mul3A_93, %scan3A_264 : vector<16xi32>
          %gather3A_293 = tpu.vector_load_idx %arg8[%add3A_292] : memref<64000xf32, #tpu.memory_space<vmem>>[vector<16xi32>], vector<16xf32>,
          %mul3A_294 = arith.mulf %gather3A_293, %gather3A_271 : vector<16xf32>
          %add3A_295 = arith.addf %scan3A_270, %mul3A_294 : vector<16xf32>
          %add3A_296 = arith.constant 1 : i32
          %add3A_297 = vector.broadcast %add3A_296 : i32 to vector<16xi32>
          %add3A_298 = arith.addi %scan3A_264, %add3A_297 : vector<16xi32>
          %and3A = arith.constant 63 : i32
          %and3A_299 = vector.broadcast %and3A : i32 to vector<16xi32>
          %and3A_300 = arith.andi %add3A_298, %and3A_299 : vector<16xi32>
          %scan3A_301 = arith.constant 1 : i32
          %scan3A_302 = arith.addi %scan3A_263, %scan3A_301 : i32
          %gather3A_303 = tpu.vector_load_idx %arg11[%and3A_300, %add3A_55] : memref<64x128xf32, #tpu.memory_space<vmem>>[vector<16xi32>, vector<16xi32>], vector<16xf32>,
          %add3A_304 = arith.addi %mul3A_58, %and3A_300 : vector<16xi32>
          %gather3A_305 = tpu.vector_load_idx %arg8[%add3A_304] : memref<64000xf32, #tpu.memory_space<vmem>>[vector<16xi32>], vector<16xf32>,
          %mul3A_306 = arith.mulf %gather3A_305, %gather3A_303 : vector<16xf32>
          %add3A_307 = arith.addf %add3A_275, %mul3A_306 : vector<16xf32>
          %add3A_308 = arith.addi %mul3A_65, %and3A_300 : vector<16xi32>
          %gather3A_309 = tpu.vector_load_idx %arg8[%add3A_308] : memref<64000xf32, #tpu.memory_space<vmem>>[vector<16xi32>], vector<16xf32>,
          %mul3A_310 = arith.mulf %gather3A_309, %gather3A_303 : vector<16xf32>
          %add3A_311 = arith.addf %add3A_279, %mul3A_310 : vector<16xf32>
          %add3A_312 = arith.addi %mul3A_72, %and3A_300 : vector<16xi32>
          %gather3A_313 = tpu.vector_load_idx %arg8[%add3A_312] : memref<64000xf32, #tpu.memory_space<vmem>>[vector<16xi32>], vector<16xf32>,
          %mul3A_314 = arith.mulf %gather3A_313, %gather3A_303 : vector<16xf32>
          %add3A_315 = arith.addf %add3A_283, %mul3A_314 : vector<16xf32>
          %add3A_316 = arith.addi %mul3A_79, %and3A_300 : vector<16xi32>
          %gather3A_317 = tpu.vector_load_idx %arg8[%add3A_316] : memref<64000xf32, #tpu.memory_space<vmem>>[vector<16xi32>], vector<16xf32>,
          %mul3A_318 = arith.mulf %gather3A_317, %gather3A_303 : vector<16xf32>
          %add3A_319 = arith.addf %add3A_287, %mul3A_318 : vector<16xf32>
          %add3A_320 = arith.addi %mul3A_86, %and3A_300 : vector<16xi32>
          %gather3A_321 = tpu.vector_load_idx %arg8[%add3A_320] : memref<64000xf32, #tpu.memory_space<vmem>>[vector<16xi32>], vector<16xf32>,
          %mul3A_322 = arith.mulf %gather3A_321, %gather3A_303 : vector<16xf32>
          %add3A_323 = arith.addf %add3A_291, %mul3A_322 : vector<16xf32>
          %add3A_324 = arith.addi %mul3A_93, %and3A_300 : vector<16xi32>
          %gather3A_325 = tpu.vector_load_idx %arg8[%add3A_324] : memref<64000xf32, #tpu.memory_space<vmem>>[vector<16xi32>], vector<16xf32>,
          %mul3A_326 = arith.mulf %gather3A_325, %gather3A_303 : vector<16xf32>
          %add3A_327 = arith.addf %add3A_295, %mul3A_326 : vector<16xf32>
          %add3A_328 = arith.constant 1 : i32
          %add3A_329 = vector.broadcast %add3A_328 : i32 to vector<16xi32>
          %add3A_330 = arith.addi %and3A_300, %add3A_329 : vector<16xi32>
          %and3A_331 = arith.constant 63 : i32
          %and3A_332 = vector.broadcast %and3A_331 : i32 to vector<16xi32>
          %and3A_333 = arith.andi %add3A_330, %and3A_332 : vector<16xi32>
          %scan3A_334 = arith.constant 2 : i32
          %scan3A_335 = arith.addi %scan3A_263, %scan3A_334 : i32
          %gather3A_336 = tpu.vector_load_idx %arg11[%and3A_333, %add3A_55] : memref<64x128xf32, #tpu.memory_space<vmem>>[vector<16xi32>, vector<16xi32>], vector<16xf32>,
          %add3A_337 = arith.addi %mul3A_58, %and3A_333 : vector<16xi32>
          %gather3A_338 = tpu.vector_load_idx %arg8[%add3A_337] : memref<64000xf32, #tpu.memory_space<vmem>>[vector<16xi32>], vector<16xf32>,
          %mul3A_339 = arith.mulf %gather3A_338, %gather3A_336 : vector<16xf32>
          %add3A_340 = arith.addf %add3A_307, %mul3A_339 : vector<16xf32>
          %add3A_341 = arith.addi %mul3A_65, %and3A_333 : vector<16xi32>
          %gather3A_342 = tpu.vector_load_idx %arg8[%add3A_341] : memref<64000xf32, #tpu.memory_space<vmem>>[vector<16xi32>], vector<16xf32>,
          %mul3A_343 = arith.mulf %gather3A_342, %gather3A_336 : vector<16xf32>
          %add3A_344 = arith.addf %add3A_311, %mul3A_343 : vector<16xf32>
          %add3A_345 = arith.addi %mul3A_72, %and3A_333 : vector<16xi32>
          %gather3A_346 = tpu.vector_load_idx %arg8[%add3A_345] : memref<64000xf32, #tpu.memory_space<vmem>>[vector<16xi32>], vector<16xf32>,
          %mul3A_347 = arith.mulf %gather3A_346, %gather3A_336 : vector<16xf32>
          %add3A_348 = arith.addf %add3A_315, %mul3A_347 : vector<16xf32>
          %add3A_349 = arith.addi %mul3A_79, %and3A_333 : vector<16xi32>
          %gather3A_350 = tpu.vector_load_idx %arg8[%add3A_349] : memref<64000xf32, #tpu.memory_space<vmem>>[vector<16xi32>], vector<16xf32>,
          %mul3A_351 = arith.mulf %gather3A_350, %gather3A_336 : vector<16xf32>
          %add3A_352 = arith.addf %add3A_319, %mul3A_351 : vector<16xf32>
          %add3A_353 = arith.addi %mul3A_86, %and3A_333 : vector<16xi32>
          %gather3A_354 = tpu.vector_load_idx %arg8[%add3A_353] : memref<64000xf32, #tpu.memory_space<vmem>>[vector<16xi32>], vector<16xf32>,
          %mul3A_355 = arith.mulf %gather3A_354, %gather3A_336 : vector<16xf32>
          %add3A_356 = arith.addf %add3A_323, %mul3A_355 : vector<16xf32>
          %add3A_357 = arith.addi %mul3A_93, %and3A_333 : vector<16xi32>
          %gather3A_358 = tpu.vector_load_idx %arg8[%add3A_357] : memref<64000xf32, #tpu.memory_space<vmem>>[vector<16xi32>], vector<16xf32>,
          %mul3A_359 = arith.mulf %gather3A_358, %gather3A_336 : vector<16xf32>
          %add3A_360 = arith.addf %add3A_327, %mul3A_359 : vector<16xf32>
          %add3A_361 = arith.constant 1 : i32
          %add3A_362 = vector.broadcast %add3A_361 : i32 to vector<16xi32>
          %add3A_363 = arith.addi %and3A_333, %add3A_362 : vector<16xi32>
          %and3A_364 = arith.constant 63 : i32
          %and3A_365 = vector.broadcast %and3A_364 : i32 to vector<16xi32>
          %and3A_366 = arith.andi %add3A_363, %and3A_365 : vector<16xi32>
          %scan3A_367 = arith.constant 3 : i32
          %scan3A_368 = arith.addi %scan3A_263, %scan3A_367 : i32
          %gather3A_369 = tpu.vector_load_idx %arg11[%and3A_366, %add3A_55] : memref<64x128xf32, #tpu.memory_space<vmem>>[vector<16xi32>, vector<16xi32>], vector<16xf32>,
          %add3A_370 = arith.addi %mul3A_58, %and3A_366 : vector<16xi32>
          %gather3A_371 = tpu.vector_load_idx %arg8[%add3A_370] : memref<64000xf32, #tpu.memory_space<vmem>>[vector<16xi32>], vector<16xf32>,
          %mul3A_372 = arith.mulf %gather3A_371, %gather3A_369 : vector<16xf32>
          %add3A_373 = arith.addf %add3A_340, %mul3A_372 : vector<16xf32>
          %add3A_374 = arith.addi %mul3A_65, %and3A_366 : vector<16xi32>
          %gather3A_375 = tpu.vector_load_idx %arg8[%add3A_374] : memref<64000xf32, #tpu.memory_space<vmem>>[vector<16xi32>], vector<16xf32>,
          %mul3A_376 = arith.mulf %gather3A_375, %gather3A_369 : vector<16xf32>
          %add3A_377 = arith.addf %add3A_344, %mul3A_376 : vector<16xf32>
          %add3A_378 = arith.addi %mul3A_72, %and3A_366 : vector<16xi32>
          %gather3A_379 = tpu.vector_load_idx %arg8[%add3A_378] : memref<64000xf32, #tpu.memory_space<vmem>>[vector<16xi32>], vector<16xf32>,
          %mul3A_380 = arith.mulf %gather3A_379, %gather3A_369 : vector<16xf32>
          %add3A_381 = arith.addf %add3A_348, %mul3A_380 : vector<16xf32>
          %add3A_382 = arith.addi %mul3A_79, %and3A_366 : vector<16xi32>
          %gather3A_383 = tpu.vector_load_idx %arg8[%add3A_382] : memref<64000xf32, #tpu.memory_space<vmem>>[vector<16xi32>], vector<16xf32>,
          %mul3A_384 = arith.mulf %gather3A_383, %gather3A_369 : vector<16xf32>
          %add3A_385 = arith.addf %add3A_352, %mul3A_384 : vector<16xf32>
          %add3A_386 = arith.addi %mul3A_86, %and3A_366 : vector<16xi32>
          %gather3A_387 = tpu.vector_load_idx %arg8[%add3A_386] : memref<64000xf32, #tpu.memory_space<vmem>>[vector<16xi32>], vector<16xf32>,
          %mul3A_388 = arith.mulf %gather3A_387, %gather3A_369 : vector<16xf32>
          %add3A_389 = arith.addf %add3A_356, %mul3A_388 : vector<16xf32>
          %add3A_390 = arith.addi %mul3A_93, %and3A_366 : vector<16xi32>
          %gather3A_391 = tpu.vector_load_idx %arg8[%add3A_390] : memref<64000xf32, #tpu.memory_space<vmem>>[vector<16xi32>], vector<16xf32>,
          %mul3A_392 = arith.mulf %gather3A_391, %gather3A_369 : vector<16xf32>
          %add3A_393 = arith.addf %add3A_360, %mul3A_392 : vector<16xf32>
          %add3A_394 = arith.constant 1 : i32
          %add3A_395 = vector.broadcast %add3A_394 : i32 to vector<16xi32>
          %add3A_396 = arith.addi %and3A_366, %add3A_395 : vector<16xi32>
          %and3A_397 = arith.constant 63 : i32
          %and3A_398 = vector.broadcast %and3A_397 : i32 to vector<16xi32>
          %and3A_399 = arith.andi %add3A_396, %and3A_398 : vector<16xi32>
          scf.yield %and3A_399, %add3A_373, %add3A_377, %add3A_381, %add3A_385, %add3A_389, %add3A_393 : vector<16xi32>, vector<16xf32>, vector<16xf32>, vector<16xf32>, vector<16xf32>, vector<16xf32>, vector<16xf32>
        }
        %scan3A_101 = arith.constant 64 : i32
        %max3A = arith.constant -1.600000e+01 : f32
        %max3A_102 = vector.broadcast %max3A : f32 to vector<16xf32>
        %max3A_103 = arith.maximumf %scan3A_100#1, %max3A_102 : vector<16xf32>
        %min3A = arith.constant 1.600000e+01 : f32
        %min3A_104 = vector.broadcast %min3A : f32 to vector<16xf32>
        %min3A_105 = arith.minimumf %max3A_103, %min3A_104 : vector<16xf32>
        %sub3A = arith.constant -1.600000e+01 : f32
        %sub3A_106 = vector.broadcast %sub3A : f32 to vector<16xf32>
        %sub3A_107 = arith.subf %min3A_105, %sub3A_106 : vector<16xf32>
        %mul3A_108 = arith.constant 3.200000e+01 : f32
        %mul3A_109 = vector.broadcast %mul3A_108 : f32 to vector<16xf32>
        %mul3A_110 = arith.mulf %sub3A_107, %mul3A_109 : vector<16xf32>
        %convert_element_type3A_111 = arith.fptosi %mul3A_110 : vector<16xf32> to vector<16xi32>
        %min3A_112 = arith.constant 1023 : i32
        %min3A_113 = vector.broadcast %min3A_112 : i32 to vector<16xi32>
        %min3A_114 = arith.minsi %convert_element_type3A_111, %min3A_113 : vector<16xi32>
        %sub3A_115 = arith.constant -1.600000e+01 : f32
        %sub3A_116 = vector.broadcast %sub3A_115 : f32 to vector<16xf32>
        %sub3A_117 = arith.subf %scan3A_100#1, %sub3A_116 : vector<16xf32>
        %min3A_118 = arith.constant 0.000000e+00 : f32
        %min3A_119 = vector.broadcast %min3A_118 : f32 to vector<16xf32>
        %min3A_120 = arith.minimumf %sub3A_117, %min3A_119 : vector<16xf32>
        %gather3A_121 = tpu.vector_load_idx %arg9[%min3A_114] : memref<1024xf32, #tpu.memory_space<vmem>>[vector<16xi32>], vector<16xf32>,
        %add3A_122 = arith.addf %gather3A_121, %min3A_120 : vector<16xf32>
        %add3A_123 = arith.addf %scan3A_51, %add3A_122 : vector<16xf32>
        %neg3A = arith.constant 0.000000e+00 : f32
        %neg3A_124 = vector.broadcast %neg3A : f32 to vector<16xf32>
        %neg3A_125 = arith.subf %neg3A_124, %scan3A_100#2 : vector<16xf32>
        %max3A_126 = arith.constant -1.600000e+01 : f32
        %max3A_127 = vector.broadcast %max3A_126 : f32 to vector<16xf32>
        %max3A_128 = arith.maximumf %neg3A_125, %max3A_127 : vector<16xf32>
        %min3A_129 = arith.constant 1.600000e+01 : f32
        %min3A_130 = vector.broadcast %min3A_129 : f32 to vector<16xf32>
        %min3A_131 = arith.minimumf %max3A_128, %min3A_130 : vector<16xf32>
        %sub3A_132 = arith.constant -1.600000e+01 : f32
        %sub3A_133 = vector.broadcast %sub3A_132 : f32 to vector<16xf32>
        %sub3A_134 = arith.subf %min3A_131, %sub3A_133 : vector<16xf32>
        %mul3A_135 = arith.constant 3.200000e+01 : f32
        %mul3A_136 = vector.broadcast %mul3A_135 : f32 to vector<16xf32>
        %mul3A_137 = arith.mulf %sub3A_134, %mul3A_136 : vector<16xf32>
        %convert_element_type3A_138 = arith.fptosi %mul3A_137 : vector<16xf32> to vector<16xi32>
        %min3A_139 = arith.constant 1023 : i32
        %min3A_140 = vector.broadcast %min3A_139 : i32 to vector<16xi32>
        %min3A_141 = arith.minsi %convert_element_type3A_138, %min3A_140 : vector<16xi32>
        %sub3A_142 = arith.constant -1.600000e+01 : f32
        %sub3A_143 = vector.broadcast %sub3A_142 : f32 to vector<16xf32>
        %sub3A_144 = arith.subf %neg3A_125, %sub3A_143 : vector<16xf32>
        %min3A_145 = arith.constant 0.000000e+00 : f32
        %min3A_146 = vector.broadcast %min3A_145 : f32 to vector<16xf32>
        %min3A_147 = arith.minimumf %sub3A_144, %min3A_146 : vector<16xf32>
        %gather3A_148 = tpu.vector_load_idx %arg9[%min3A_141] : memref<1024xf32, #tpu.memory_space<vmem>>[vector<16xi32>], vector<16xf32>,
        %add3A_149 = arith.addf %gather3A_148, %min3A_147 : vector<16xf32>
        %add3A_150 = arith.addf %add3A_123, %add3A_149 : vector<16xf32>
        %neg3A_151 = arith.constant 0.000000e+00 : f32
        %neg3A_152 = vector.broadcast %neg3A_151 : f32 to vector<16xf32>
        %neg3A_153 = arith.subf %neg3A_152, %scan3A_100#3 : vector<16xf32>
        %max3A_154 = arith.constant -1.600000e+01 : f32
        %max3A_155 = vector.broadcast %max3A_154 : f32 to vector<16xf32>
        %max3A_156 = arith.maximumf %neg3A_153, %max3A_155 : vector<16xf32>
        %min3A_157 = arith.constant 1.600000e+01 : f32
        %min3A_158 = vector.broadcast %min3A_157 : f32 to vector<16xf32>
        %min3A_159 = arith.minimumf %max3A_156, %min3A_158 : vector<16xf32>
        %sub3A_160 = arith.constant -1.600000e+01 : f32
        %sub3A_161 = vector.broadcast %sub3A_160 : f32 to vector<16xf32>
        %sub3A_162 = arith.subf %min3A_159, %sub3A_161 : vector<16xf32>
        %mul3A_163 = arith.constant 3.200000e+01 : f32
        %mul3A_164 = vector.broadcast %mul3A_163 : f32 to vector<16xf32>
        %mul3A_165 = arith.mulf %sub3A_162, %mul3A_164 : vector<16xf32>
        %convert_element_type3A_166 = arith.fptosi %mul3A_165 : vector<16xf32> to vector<16xi32>
        %min3A_167 = arith.constant 1023 : i32
        %min3A_168 = vector.broadcast %min3A_167 : i32 to vector<16xi32>
        %min3A_169 = arith.minsi %convert_element_type3A_166, %min3A_168 : vector<16xi32>
        %sub3A_170 = arith.constant -1.600000e+01 : f32
        %sub3A_171 = vector.broadcast %sub3A_170 : f32 to vector<16xf32>
        %sub3A_172 = arith.subf %neg3A_153, %sub3A_171 : vector<16xf32>
        %min3A_173 = arith.constant 0.000000e+00 : f32
        %min3A_174 = vector.broadcast %min3A_173 : f32 to vector<16xf32>
        %min3A_175 = arith.minimumf %sub3A_172, %min3A_174 : vector<16xf32>
        %gather3A_176 = tpu.vector_load_idx %arg9[%min3A_169] : memref<1024xf32, #tpu.memory_space<vmem>>[vector<16xi32>], vector<16xf32>,
        %add3A_177 = arith.addf %gather3A_176, %min3A_175 : vector<16xf32>
        %add3A_178 = arith.addf %add3A_150, %add3A_177 : vector<16xf32>
        %neg3A_179 = arith.constant 0.000000e+00 : f32
        %neg3A_180 = vector.broadcast %neg3A_179 : f32 to vector<16xf32>
        %neg3A_181 = arith.subf %neg3A_180, %scan3A_100#4 : vector<16xf32>
        %max3A_182 = arith.constant -1.600000e+01 : f32
        %max3A_183 = vector.broadcast %max3A_182 : f32 to vector<16xf32>
        %max3A_184 = arith.maximumf %neg3A_181, %max3A_183 : vector<16xf32>
        %min3A_185 = arith.constant 1.600000e+01 : f32
        %min3A_186 = vector.broadcast %min3A_185 : f32 to vector<16xf32>
        %min3A_187 = arith.minimumf %max3A_184, %min3A_186 : vector<16xf32>
        %sub3A_188 = arith.constant -1.600000e+01 : f32
        %sub3A_189 = vector.broadcast %sub3A_188 : f32 to vector<16xf32>
        %sub3A_190 = arith.subf %min3A_187, %sub3A_189 : vector<16xf32>
        %mul3A_191 = arith.constant 3.200000e+01 : f32
        %mul3A_192 = vector.broadcast %mul3A_191 : f32 to vector<16xf32>
        %mul3A_193 = arith.mulf %sub3A_190, %mul3A_192 : vector<16xf32>
        %convert_element_type3A_194 = arith.fptosi %mul3A_193 : vector<16xf32> to vector<16xi32>
        %min3A_195 = arith.constant 1023 : i32
        %min3A_196 = vector.broadcast %min3A_195 : i32 to vector<16xi32>
        %min3A_197 = arith.minsi %convert_element_type3A_194, %min3A_196 : vector<16xi32>
        %sub3A_198 = arith.constant -1.600000e+01 : f32
        %sub3A_199 = vector.broadcast %sub3A_198 : f32 to vector<16xf32>
        %sub3A_200 = arith.subf %neg3A_181, %sub3A_199 : vector<16xf32>
        %min3A_201 = arith.constant 0.000000e+00 : f32
        %min3A_202 = vector.broadcast %min3A_201 : f32 to vector<16xf32>
        %min3A_203 = arith.minimumf %sub3A_200, %min3A_202 : vector<16xf32>
        %gather3A_204 = tpu.vector_load_idx %arg9[%min3A_197] : memref<1024xf32, #tpu.memory_space<vmem>>[vector<16xi32>], vector<16xf32>,
        %add3A_205 = arith.addf %gather3A_204, %min3A_203 : vector<16xf32>
        %add3A_206 = arith.addf %add3A_178, %add3A_205 : vector<16xf32>
        %neg3A_207 = arith.constant 0.000000e+00 : f32
        %neg3A_208 = vector.broadcast %neg3A_207 : f32 to vector<16xf32>
        %neg3A_209 = arith.subf %neg3A_208, %scan3A_100#5 : vector<16xf32>
        %max3A_210 = arith.constant -1.600000e+01 : f32
        %max3A_211 = vector.broadcast %max3A_210 : f32 to vector<16xf32>
        %max3A_212 = arith.maximumf %neg3A_209, %max3A_211 : vector<16xf32>
        %min3A_213 = arith.constant 1.600000e+01 : f32
        %min3A_214 = vector.broadcast %min3A_213 : f32 to vector<16xf32>
        %min3A_215 = arith.minimumf %max3A_212, %min3A_214 : vector<16xf32>
        %sub3A_216 = arith.constant -1.600000e+01 : f32
        %sub3A_217 = vector.broadcast %sub3A_216 : f32 to vector<16xf32>
        %sub3A_218 = arith.subf %min3A_215, %sub3A_217 : vector<16xf32>
        %mul3A_219 = arith.constant 3.200000e+01 : f32
        %mul3A_220 = vector.broadcast %mul3A_219 : f32 to vector<16xf32>
        %mul3A_221 = arith.mulf %sub3A_218, %mul3A_220 : vector<16xf32>
        %convert_element_type3A_222 = arith.fptosi %mul3A_221 : vector<16xf32> to vector<16xi32>
        %min3A_223 = arith.constant 1023 : i32
        %min3A_224 = vector.broadcast %min3A_223 : i32 to vector<16xi32>
        %min3A_225 = arith.minsi %convert_element_type3A_222, %min3A_224 : vector<16xi32>
        %sub3A_226 = arith.constant -1.600000e+01 : f32
        %sub3A_227 = vector.broadcast %sub3A_226 : f32 to vector<16xf32>
        %sub3A_228 = arith.subf %neg3A_209, %sub3A_227 : vector<16xf32>
        %min3A_229 = arith.constant 0.000000e+00 : f32
        %min3A_230 = vector.broadcast %min3A_229 : f32 to vector<16xf32>
        %min3A_231 = arith.minimumf %sub3A_228, %min3A_230 : vector<16xf32>
        %gather3A_232 = tpu.vector_load_idx %arg9[%min3A_225] : memref<1024xf32, #tpu.memory_space<vmem>>[vector<16xi32>], vector<16xf32>,
        %add3A_233 = arith.addf %gather3A_232, %min3A_231 : vector<16xf32>
        %add3A_234 = arith.addf %add3A_206, %add3A_233 : vector<16xf32>
        %neg3A_235 = arith.constant 0.000000e+00 : f32
        %neg3A_236 = vector.broadcast %neg3A_235 : f32 to vector<16xf32>
        %neg3A_237 = arith.subf %neg3A_236, %scan3A_100#6 : vector<16xf32>
        %max3A_238 = arith.constant -1.600000e+01 : f32
        %max3A_239 = vector.broadcast %max3A_238 : f32 to vector<16xf32>
        %max3A_240 = arith.maximumf %neg3A_237, %max3A_239 : vector<16xf32>
        %min3A_241 = arith.constant 1.600000e+01 : f32
        %min3A_242 = vector.broadcast %min3A_241 : f32 to vector<16xf32>
        %min3A_243 = arith.minimumf %max3A_240, %min3A_242 : vector<16xf32>
        %sub3A_244 = arith.constant -1.600000e+01 : f32
        %sub3A_245 = vector.broadcast %sub3A_244 : f32 to vector<16xf32>
        %sub3A_246 = arith.subf %min3A_243, %sub3A_245 : vector<16xf32>
        %mul3A_247 = arith.constant 3.200000e+01 : f32
        %mul3A_248 = vector.broadcast %mul3A_247 : f32 to vector<16xf32>
        %mul3A_249 = arith.mulf %sub3A_246, %mul3A_248 : vector<16xf32>
        %convert_element_type3A_250 = arith.fptosi %mul3A_249 : vector<16xf32> to vector<16xi32>
        %min3A_251 = arith.constant 1023 : i32
        %min3A_252 = vector.broadcast %min3A_251 : i32 to vector<16xi32>
        %min3A_253 = arith.minsi %convert_element_type3A_250, %min3A_252 : vector<16xi32>
        %sub3A_254 = arith.constant -1.600000e+01 : f32
        %sub3A_255 = vector.broadcast %sub3A_254 : f32 to vector<16xf32>
        %sub3A_256 = arith.subf %neg3A_237, %sub3A_255 : vector<16xf32>
        %min3A_257 = arith.constant 0.000000e+00 : f32
        %min3A_258 = vector.broadcast %min3A_257 : f32 to vector<16xf32>
        %min3A_259 = arith.minimumf %sub3A_256, %min3A_258 : vector<16xf32>
        %gather3A_260 = tpu.vector_load_idx %arg9[%min3A_253] : memref<1024xf32, #tpu.memory_space<vmem>>[vector<16xi32>], vector<16xf32>,
        %add3A_261 = arith.addf %gather3A_260, %min3A_259 : vector<16xf32>
        %add3A_262 = arith.addf %add3A_234, %add3A_261 : vector<16xf32>
        scf.yield %add3A_262 : vector<16xf32>
      }
      %scan3A_49 = arith.constant 8 : i32
      scf.yield %scan3A_48 : vector<16xf32>
    }
    %scan3A_11 = arith.constant 25 : i32
    %swap3A = arith.constant 0 : index
    %swap3A_12 = tpu.vector_load %arg14[%swap3A] {strides = array<i32>} : memref<16xf32, #tpu.memory_space<vmem>>, vector<16xf32>,
    tpu.vector_store %arg14[%swap3A], %scan3A_10 {strides = array<i32>} : memref<16xf32, #tpu.memory_space<vmem>>, vector<16xf32>,
    "tpu.region"() ({
      %run_scoped3A = tpu.sem_alloc : memref<!tpu.dma_semaphore, #tpu.memory_space<semaphore_mem>>
      %dma_start3A_13 = arith.constant 0 : i32
      %dma_start3A_14 = tpu.memref_slice %arg7[%add3A, %dma_start3A_13] : memref<32x16xf32, #tpu.memory_space<hbm>> -> memref<1x16xf32, #tpu.memory_space<hbm>>
      %dma_start3A_15 = tpu.memref_squeeze %dma_start3A_14 : memref<1x16xf32, #tpu.memory_space<hbm>> -> memref<16xf32, #tpu.memory_space<hbm>>
      %dma_start3A_16 = arith.constant 0 : i32
      %dma_start3A_17 = tpu.memref_slice %arg7[%add3A, %dma_start3A_16] : memref<32x16xf32, #tpu.memory_space<hbm>> -> memref<1x16xf32, #tpu.memory_space<hbm>>
      %dma_start3A_18 = tpu.memref_squeeze %dma_start3A_17 : memref<1x16xf32, #tpu.memory_space<hbm>> -> memref<16xf32, #tpu.memory_space<hbm>>
      tpu.enqueue_dma source(%arg14 : memref<16xf32, #tpu.memory_space<vmem>>) target(%dma_start3A_18 : memref<16xf32, #tpu.memory_space<hbm>>) target_semaphore(%run_scoped3A : memref<!tpu.dma_semaphore, #tpu.memory_space<semaphore_mem>>)
      %dma_wait3A = arith.constant 0 : i32
      %dma_wait3A_19 = tpu.memref_slice %arg7[%add3A, %dma_wait3A] : memref<32x16xf32, #tpu.memory_space<hbm>> -> memref<1x16xf32, #tpu.memory_space<hbm>>
      %dma_wait3A_20 = tpu.memref_squeeze %dma_wait3A_19 : memref<1x16xf32, #tpu.memory_space<hbm>> -> memref<16xf32, #tpu.memory_space<hbm>>
      %dma_wait3A_21 = arith.constant 0 : i32
      %dma_wait3A_22 = tpu.memref_slice %arg7[%add3A, %dma_wait3A_21] : memref<32x16xf32, #tpu.memory_space<hbm>> -> memref<1x16xf32, #tpu.memory_space<hbm>>
      %dma_wait3A_23 = tpu.memref_squeeze %dma_wait3A_22 : memref<1x16xf32, #tpu.memory_space<hbm>> -> memref<16xf32, #tpu.memory_space<hbm>>
      tpu.wait_dma2 semaphore(%run_scoped3A : memref<!tpu.dma_semaphore, #tpu.memory_space<semaphore_mem>>) src(%arg14 : memref<16xf32, #tpu.memory_space<vmem>>) dst(%dma_wait3A_23 : memref<16xf32, #tpu.memory_space<hbm>>)
      tpu.yield
    }) : () -> ()
    return
  }
}

module attributes {stable_mosaic.version = 14 : i64} {
  func.func @_tc_reduce_body(%arg0: memref<32x16xf32, #tpu.memory_space<vmem>>, %arg1: memref<1x1xf32, #tpu.memory_space<smem>>) attributes {dimension_semantics = [], scalar_prefetch = 0 : i64, scratch_operands = 0 : i64, tpu.core_type = #tpu.core_type<tc>} {
    %get3A = arith.constant 0 : index
    %get3A_0 = arith.constant 0 : index
    %get3A_1 = vector.load %arg0[%get3A, %get3A_0] : memref<32x16xf32, #tpu.memory_space<vmem>>, vector<32x16xf32>
    %reduce_sum3A = vector.shape_cast %get3A_1 : vector<32x16xf32> to vector<1x32x16xf32>
    %reduce_sum3A_2 = arith.constant dense<0.000000e+00> : vector<1xf32>
    %reduce_sum3A_3 = vector.multi_reduction <add>, %reduce_sum3A, %reduce_sum3A_2 [1, 2] : vector<1x32x16xf32> to vector<1xf32>
    %reduce_sum3A_4 = vector.shape_cast %reduce_sum3A_3 : vector<1xf32> to vector<1x1x1xf32>
    %reduce_sum3A_5 = vector.extract %reduce_sum3A_4[0, 0, 0] : f32 from vector<1x1x1xf32>
    %neg3A = arith.constant 0.000000e+00 : f32
    %neg3A_6 = arith.subf %neg3A, %reduce_sum3A_5 : f32
    %swap3A = arith.constant 0 : index
    %swap3A_7 = arith.constant 0 : index
    %swap3A_8 = memref.load %arg1[%swap3A, %swap3A_7] : memref<1x1xf32, #tpu.memory_space<smem>>
    memref.store %neg3A_6, %arg1[%swap3A, %swap3A_7] : memref<1x1xf32, #tpu.memory_space<smem>>
    return
  }
}

</mosaic_0001>

<sc_bundles>
// kernel: kernel.4.cloned.1.call-start
scs
__scs_entry_jumppad:
0x0: {  	(pc) =	sbr.rel $0x88, $3  }
0x1: {  	(tag) =	ssettag $0x0;
	lr =	simm.s32 $0x1  }
0x2: {  	[smem:$0x3F9D] =	sst lr;
	_ =	strace $0xD0000000  }
0x3: {  	_ = 	snop  }
0x4: {  	_ = 	snop  }
0x5: {  	_ = 	snop  }
0x6: {  	_ = 	snop  }
0x7: {  	_ = 	snop  }
__scs_overlays_trampoline_lowered:
0x8: {  	[smem:$0x3FAC] =	sst s0  }
0x9: {  	[smem:$0x3FAD] =	sst s1  }
0xa: {  	[smem:$0x3FAE] =	sst s2  }
0xb: {  	[smem:$0x3FAF] =	sst s3  }
0xc: {  	[smem:$0x3FB0] =	sst s4  }
0xd: {  	[smem:$0x3FB1] =	sst s5  }
0xe: {  	[smem:$0x3FB2] =	sst s6  }
0xf: {  	[smem:$0x3FB3] =	sst s7  }
0x10: {  	[smem:$0x3FB4] =	sst s8  }
0x11: {  	[smem:$0x3FB5] =	sst s9;
	s0 =	simm.s32 @!p0 $0x0  }
0x12: {  	s1 =	sld [smem:$0x3F9B];
	s0 =	simm.s32 @p0 $0x1  }
0x13: {  	[smem:$0x3FB6] =	sst s0;
	s0 =	simm.s32 @!p1 $0x0  }
0x14: {  	s2 =	sld [smem:$0x3F9A];
	s0 =	simm.s32 @p1 $0x1  }
0x15: {  	[smem:$0x3FB7] =	sst s0;
	s0 =	simm.s32 @!p2 $0x0  }
0x16: {  	s3 =	sld [smem:$0x3FDB];
	s0 =	simm.s32 @p2 $0x1  }
0x17: {  	s4 =	simm.s32 $0x1BF5;
	[smem:$0x3FB9] =	sst s0  }
0x18: {  	s0 =	sld [smem:$0x3F9C];
	_ =	swait.ge [sflag:s4], $0x0  }
0x19: {  	s7 =	sld [smem:$0x3F9D]  }
0x1a: {  	s8 =	sadd.s32 $0xFFFFE003, lr  }
0x1b: {  	s9 =	sadd.s32 $0xFFFFFEF7, lr;
	s5 =	simm.s32 $0xFFFFFFFF;
	p2 =	slt.u32 s8, $0xFFFFF086  }
0x1c: {  	p1 =	slt.u32 s9, $0xF7A;
	s5 =	simm.s32 @!p2 $0x0  }
0x1d: {  	s5 =	simm.s32 @p1 $0x1;
	p0 =	seq.s32 s7, s2  }
0x1e: {  	s7 =	smul.u32 @!p0 $0xF7A, s2;
	p2 =	seq.s32 @!p0 s5, $0x0  }
0x1f: {  	s9 =	smul.u32 $0xF7A, s1;
	s8 =	simm.s32 @!p0 $0x1BF5;
	p2 =	por !p2, p0  }
0x20: {  	[sflag:s8] =	ssyncset.s32 @!p0 $0xFFFFF086;
	s6 =	sadd.s32 @!p0 s3, s7;
	s7 =	simm.s32 @!p0 $0x108  }
0x21: {  	s3 =	sadd.s32 s3, s9;
	s6 =	sadd.s32 @!p0 $0x88, s6;
	s7 =	simm.s32 @p2 $0x1082  }
0x22: {  	[simem:s7], [sflag:s8] =	dma.local @!p0 [hbm:s6], $0xF7A  }
0x23: {  	s9 =	sor.u32 $0xD0000000, s2;
	s6 =	simm.s32 $0x108;
	_ =	swait.ge @!p0 [sflag:s8], $0x0  }
0x24: {  	s3 =	sadd.s32 $0x88, s3;
	s6 =	simm.s32 @!p1 $0x1082;
	[sflag:s4] =	ssyncset.s32 $0xFFFFF086  }
0x25: {  	[simem:s6], [sflag:s4] =	dma.local [hbm:s3], $0xF7A  }
0x26: {  	[smem:$0x3F9D] =	sst s1;
	(tag) =	ssettag s2;
	_ =	strace s9  }
0x27: {  	s1 =	sld [smem:$0x3FAD]  }
0x28: {  	s2 =	sld [smem:$0x3FAE]  }
0x29: {  	s4 =	sld [smem:$0x3FB0]  }
0x2a: {  	p0 =	seq.s32 s5, $0x0;
	s5 =	sld [smem:$0x3FB1]  }
0x2b: {  	s6 =	sld [smem:$0x3FB2]  }
0x2c: {  	s7 =	sld [smem:$0x3FB3]  }
0x2d: {  	s3 =	simm.s32 $0x108;
	s8 =	sld [smem:$0x3FB4]  }
0x2e: {  	s3 =	simm.s32 @!p0 $0x1082;
	s9 =	sld [smem:$0x3FB5]  }
0x2f: {  	lr =	sadd.s32 s0, s3;
	s0 =	sld [smem:$0x3FAC]  }
0x30: {  	s3 =	sld [smem:$0x3FAF]  }
0x31: {  	[smem:$0x3FB8] =	sst s10  }
0x32: {  	s10 =	sld [smem:$0x3FB6];
	_ =	sdelay $0x3  }
0x33: {  	p0 =	seq.s32 s10, $0x1;
	s10 =	sld [smem:$0x3FB8];
	_ =	sdelay $0x3  }
0x34: {  	[smem:$0x3FB8] =	sst s10  }
0x35: {  	s10 =	sld [smem:$0x3FB7];
	_ =	sdelay $0x3  }
0x36: {  	p1 =	seq.s32 s10, $0x1;
	s10 =	sld [smem:$0x3FB8];
	_ =	sdelay $0x3  }
0x37: {  	[smem:$0x3FB8] =	sst s10  }
0x38: {  	s10 =	sld [smem:$0x3FB9]  }
0x39: {  	_ = 	snop;
	(pc) =	sbr.ind lr, $3  }
0x3a: {  	_ = 	snop  }
0x3b: {  	_ = 	snop  }
0x3c: {  	p2 =	seq.s32 s10, $0x1;
	s10 =	sld [smem:$0x3FB8]  }
0x3d: {  	_ =	shalt  }
0x3e: {  	_ =	shalt  }
0x3f: {  	_ =	shalt  }
0x40: {  	_ =	shalt  }
0x41: {  	_ =	shalt  }
0x42: {  	_ =	shalt  }
0x43: {  	_ =	shalt  }
0x44: {  	_ =	shalt  }
0x45: {  	_ =	shalt  }
0x46: {  	_ =	shalt  }
0x47: {  	_ =	shalt  }
0x48: {  	_ =	shalt  }
0x49: {  	_ =	shalt  }
0x4a: {  	_ =	shalt  }
0x4b: {  	_ =	shalt  }
0x4c: {  	_ =	shalt  }
0x4d: {  	_ =	shalt  }
0x4e: {  	_ =	shalt  }
0x4f: {  	_ =	shalt  }
0x50: {  	_ =	shalt  }
0x51: {  	_ =	shalt  }
0x52: {  	_ =	shalt  }
0x53: {  	_ =	shalt  }
0x54: {  	_ =	shalt  }
0x55: {  	_ =	shalt  }
0x56: {  	_ =	shalt  }
0x57: {  	_ =	shalt  }
0x58: {  	_ =	shalt  }
0x59: {  	_ =	shalt  }
0x5a: {  	_ =	shalt  }
0x5b: {  	_ =	shalt  }
0x5c: {  	_ =	shalt  }
0x5d: {  	_ =	shalt  }
0x5e: {  	_ =	shalt  }
0x5f: {  	_ =	shalt  }
0x60: {  	_ =	shalt  }
0x61: {  	_ =	shalt  }
0x62: {  	_ =	shalt  }
0x63: {  	_ =	shalt  }
0x64: {  	_ =	shalt  }
0x65: {  	_ =	shalt  }
0x66: {  	_ =	shalt  }
0x67: {  	_ =	shalt  }
0x68: {  	_ =	shalt  }
0x69: {  	_ =	shalt  }
0x6a: {  	_ =	shalt  }
0x6b: {  	_ =	shalt  }
0x6c: {  	_ =	shalt  }
0x6d: {  	_ =	shalt  }
0x6e: {  	_ =	shalt  }
0x6f: {  	_ =	shalt  }
0x70: {  	_ =	shalt  }
0x71: {  	_ =	shalt  }
0x72: {  	_ =	shalt  }
0x73: {  	_ =	shalt  }
0x74: {  	_ =	shalt  }
0x75: {  	_ =	shalt  }
0x76: {  	_ =	shalt  }
0x77: {  	_ =	shalt  }
0x78: {  	_ =	shalt  }
0x79: {  	_ =	shalt  }
0x7a: {  	_ =	shalt  }
0x7b: {  	_ =	shalt  }
0x7c: {  	_ =	shalt  }
0x7d: {  	_ =	shalt  }
0x7e: {  	_ =	shalt  }
0x7f: {  	_ =	shalt  }
0x80: {  	_ =	shalt  }
0x81: {  	_ =	shalt  }
0x82: {  	_ =	shalt  }
0x83: {  	_ =	shalt  }
0x84: {  	_ =	shalt  }
0x85: {  	_ =	shalt  }
0x86: {  	_ =	shalt  }
0x87: {  	_ =	shalt  }
.Lfunc_end0:
.L_simem_size_0:
called_computation_lowered:
.L_overlay_start_0:
0x88: {  	s2 =	sld [smem:$0x3FD9]  }
0x89: {  	s3 =	sld [smem:$0x3FFE];
	_ =	sdelay $0x1  }
0x8a: {  	s1 =	srdreg.scid  }
0x8b: {  	s0 =	sand.u32 $0x1, s1  }
0x8c: {  	s17 =	sshll.u32 s0, $0xA;
	s2 =	sadd.s32 s3, s2  }
0x8d: {  	s2 =	sadd.s32 s2, s17  }
0x8e: {  	[smem:$0x3FC4] =	sst s2  }
0x8f: {  	_ = 	snop  }
0x90: {  	s2 =	sld [smem:$0x3FC9]  }
0x91: {  	s18 =	sld [smem:$0x3FC8];
	(tm) =	ssettm $0x1  }
0x92: {  	s4 =	sld [smem:$0x3FFB];
	_ =	sdelay $0x3  }
0x93: {  	_ =	strace s4  }
0x94: {  	s4 =	sld [smem:$0x3FFC];
	_ =	sdelay $0x3  }
0x95: {  	_ =	strace s4  }
0x96: {  	s4 =	sld [smem:$0x3FFD];
	_ =	sdelay $0x3  }
0x97: {  	_ =	strace s4  }
0x98: {  	_ =	strace $0x8FFFFFFF  }
0x99: {  	s19 =	sld [smem:$0x3FDB];
	_ =	sdelay $0x1  }
0x9a: {  	s5 =	simm.s32 $_scs_section_size  }
0x9b: {  	s6 =	simm.s32 $_size__tile_overlayer_lowered;
	s7 =	simm.s32 $_tile_overlayer_lowered  }
0x9c: {  	s22 =	simm.s32 $0x1BFF;
	s21 =	sshll.u32 s7, $0x1;
	s4 =	sadd.s32 s5, s19  }
0x9d: {  	s8 =	simm.s32 $0x0;
	s20 =	sshll.u32 s6, $0x1;
	s6 =	sadd.s32 s21, s4  }
0x9e: {  	[timem:s8], [sflag:s22] =	dma.local [hbm:s6], s20  }
0x9f: {  	_ =	swait.ge [sflag:s22], s20  }
0xa0: {  	s5 =	ssub.s32 $0x0, s20;
	[sflag:s22] =	ssyncset.done $0x0  }
0xa1: {  	[sflag:s22] =	ssyncadd.s32 s5;
	_ =	sdelay $0x1  }
0xa2: {  	s23 =	simm.s32 $0x1B8B  }
0xa3: {  	_ =	swait.ge [sflag:s23], $0x1  }
0xa4: {  	[sflag:s23] =	ssyncset.done $0x0  }
0xa5: {  	s25 =	simm.s32 $0x1B8E;
	s24 =	sld [smem:$0x3FFE];
	[sflag:s23] =	ssyncadd.s32 $0xFFFFFFFF  }
0xa6: {  	s26 =	simm.s32 $execute0_lowered;
	[smem:$0x3FD2] =	sst s25  }
0xa7: {  	s6 =	sshll.u32 s26, $0x1;
	_ =	strace $0x80000046;
	[dreg:$0x1] =	wrdreg $0xFFFFFFFF  }
0xa8: {  	s28 =	simm.s32 $_size_execute0_lowered;
	s4 =	sadd.s32 s4, s6;
	[dreg:$0x0] =	wrdreg $0x0  }
0xa9: {  	s6 =	sshll.u32 s28, $0x1;
	[dreg:$0x2] =	wrdreg s4  }
0xaa: {  	[dreg:$0x3] =	wrdreg s6  }
0xab: {  	[dreg:$0x4] =	wrdreg $0xC0  }
0xac: {  	_ =	task [dreg:s8], $0x5FFFF  }
0xad: {  	[dreg:$0x1] =	wrdreg $0xFFFFFFFF  }
0xae: {  	[dreg:$0x0] =	wrdreg $0x60  }
0xaf: {  	[dreg:$0x2] =	wrdreg s18  }
0xb0: {  	[dreg:$0x3] =	wrdreg s2  }
0xb1: {  	[dreg:$0x4] =	wrdreg s24  }
0xb2: {  	[dreg:$0x5] =	wrdreg $0x9  }
0xb3: {  	_ =	task.clear_ibuf [dreg:s8], $0x6FFFF;
	_ =	strace $0x90000046  }
0xb4: {  	s29 =	simm.s32 $0x9;
	_ =	strace $0x80000048  }
0xb5: {  	_ =	swait.ge [sflag:s29], $0x1  }
0xb6: {  	[sflag:s29] =	ssyncadd.s32 $0xFFFFFFFF  }
0xb7: {  	_ =	strace $0x90000048  }
0xb8: {  	_ =	sfence  }
0xb9: {  	s30 =	sld [smem:$0x0];
	_ =	sdelay $0x2  }
0xba: {  	s31 =	sshll.u32 s1, $0xD;
	s1 =	sshrl.u32 s1, $0x2  }
0xbb: {  	s3 =	sand.u32 $0x4000, s31;
	s1 =	sadd.s32 s1, s30  }
0xbc: {  	s0 =	sor.u32 s3, s0;
	s1 =	sshll.u32 s1, $0x11  }
0xbd: {  	s0 =	sor.u32 s1, s0  }
0xbe: {  	s0 =	sadd.s32 $0x8F2B, s0  }
0xbf: {  	[sflag:s0] =	ssyncadd.remote.s32 $0x1  }
0xc0: {  	_ =	sfence.sel $0xFFFF  }
0xc1: {  	[dreg:$0x0] =	wrdreg $0xFFFFFFFF;
	(pc) =	sbr.abs _section_cstart, $3  }
0xc2: {  	[dreg:$0x1] =	wrdreg $0xFFFFFFFF  }
0xc3: {  	_ =	task.clear_ibuf [dreg:s8], $0x2FFFF;
	_ =	strace $0x9FFFFFFF  }
0xc4: {  	(tm) =	ssettm $0x7FFFFFFF  }
0xc5: {  	_ =	shalt  }
tec
execute0_lowered:
.L_overlay_start_1:
0x0: {  	(tag) =	ssettag $0x1  }
0x1: {  	s1 =	rddreg [dreg:$0x0]  }
0x2: {  	s0 =	rddreg [dreg:$0x1];
	s2 =	srdreg.scid  }
0x3: {  	s3 =	stileid.u32;
	s6 =	rddreg [dreg:$0x2];
	s13 =	simm.s32 $0x3  }
0x4: {  	s14 =	simm.s32 $0xFA00;
	s15 =	simm.s32 $0x400;
	s16 =	simm.s32 $0x8000  }
0x5: {  	s17 =	simm.s32 $0x13E00;
	s20 =	simm.s32 $0x15A00;
	s22 =	simm.s32 $0x1D600  }
0x6: {  	s23 =	simm.s32 $0xFE00;
	s24 =	simm.s32 $0x11E00;
	s25 =	simm.s32 $0x1  }
0x7: {  	s26 =	simm.s32 $0x2;
	s28 =	simm.s32 $0x1DA00;
	s29 =	simm.s32 $0x0  }
0x8: {  	s2 =	sand.u32 $0x1, s2;
	s4 =	sshll.u32 s3, $0x1;
	s3 =	simm.s32 $0x0  }
0x9: {  	s5 =	sadd.s32 $0x600, s6;
	s7 =	sor.u32 s2, s4;
	[smem:$0x7FF] =	sst s3  }
0xa: {  	s4 =	sadd.s32 $0x800, s6;
	s2 =	ssub.s32 $0x2, s2;
	s9 =	sshll.u32 s7, $0x7  }
0xb: {  	_ =	strace $0x80000047;
	s10 =	sshll.u32 s7, $0x4;
	s31 =	sshrl.u32 s2, $0x1  }
0xc: {  	s8 =	sadd.s32 s9, s6;
	s11 =	sadd.s32 s10, s6;
	s2 =	ssub.s32 s2, s31  }
0xd: {  	s6 =	sshll.u32 s7, $0xA;
	s7 =	sadd.s32 s0, s9;
	s9 =	sadd.s32 s1, s9  }
0xe: {  	s8 =	sadd.s32 $0x2800, s8;
	s10 =	sor.u32 $0x80000, s6;
	s11 =	sadd.s32 $0x22800, s11  }
0xf: {  	s12 =	smax.u32 s2, $0x1;
	s18 =	sadd.s32 $0x6000, s7;
	s21 =	sadd.s32 $0x1F000, s8  }
.LBB2_1:
0x10: {  	[tilespmem:s3], [sflag:$0x3] =	stream.linear.gather [hbm4b:s4+s3], $0xFA00, $0x38;
	[tilespmem:$0x1DA80] =	vst v63  }
0x11: {  	_ =	swait.ge [sflag:s13], $0xFA00  }
0x12: {  	[sflag:s13] =	ssyncset.done $0x0  }
0x13: {  	[sflag:s13] =	ssyncadd.s32 $0xFFFF0600  }
0x14: {  	[tilespmem:s14], [sflag:$0x3] =	stream.linear.gather [hbm4b:s5+s3], $0x400, $0x38;
	[tilespmem:$0x1DA80] =	vst v63  }
0x15: {  	_ =	swait.ge [sflag:s13], $0x400  }
0x16: {  	[sflag:s13] =	ssyncset.done $0x0  }
0x17: {  	[sflag:s13] =	ssyncadd.s32 $0xFFFFFC00  }
0x18: {  	[tilespmem:s17], [sflag:$0x3] =	stream.strided.gather [hbm4b:s7+s15], $0x1800, s16, s15, $0x38;
	[tilespmem:$0x1DA80] =	vst v63  }
0x19: {  	s0 =	simm.s32 $0x15600  }
0x1a: {  	[tilespmem:s0], [sflag:$0x3] =	stream.linear.gather [hbm4b:s18+s3], $0x100, $0x38;
	[tilespmem:$0x1DA80] =	vst v63  }
0x1b: {  	_ =	swait.ge [sflag:s13], $0x1900  }
0x1c: {  	[sflag:s13] =	ssyncset.done $0x0  }
0x1d: {  	[sflag:s13] =	ssyncadd.s32 $0xFFFFE700  }
0x1e: {  	[tilespmem:s20], [sflag:$0x3] =	stream.strided.gather [hbm4b:s8+s15], $0x7C00, s16, s15, $0x38;
	[tilespmem:$0x1DA80] =	vst v63  }
0x1f: {  	_ = 	snop  }
0x20: {  	[tilespmem:s22], [sflag:$0x3] =	stream.linear.gather [hbm4b:s21+s3], $0x100, $0x38;
	[tilespmem:$0x1DA80] =	vst v63  }
0x21: {  	_ =	swait.ge [sflag:s13], $0x7D00  }
0x22: {  	[sflag:s13] =	ssyncset.done $0x0  }
0x23: {  	s30 =	simm.s32 $0x0;
	[sflag:s13] =	ssyncadd.s32 $0xFFFF8300  }
0x24: {  	v0 =	vimm.f32 $0.0e+00;
	[tilespmem:s23], [sflag:$0x1] =	stream.strided.gather [hbm4b:s9+s15], $0x2000, s16, s15, $0x38;
	[tilespmem:$0x1DA80] =	vst v63  }
.LBB2_2:
0x25: {  	s31 =	sshllo.u32 s30, $0x1  }
0x26: {  	s0 =	sshll.u32 s31, $0x12  }
0x27: {  	s2 =	sshll.u32 s30, $0x1;
	s0 =	sor.u32 s6, s0  }
0x28: {  	v1 =	vmov s2;
	s0 =	sshrl.u32 s0, $0x3  }
0x29: {  	v1 =	vshll.u32 v1, $0x7;
	s0 =	sadd.s32 s1, s0  }
0x2a: {  	v1 =	vbroadcast v1, $0x0;
	[tilespmem:s24], [sflag:$0x2] =	stream.strided.gather [hbm4b:s0+s15], $0x2000, s16, s15, $0x38;
	[tilespmem:$0x1DA80] =	vst v63  }
0x2b: {  	_ =	swait.ge [sflag:s25], $0x2000  }
0x2c: {  	v2 =	vadd.s32 $0x1900, v1;
	[sflag:s25] =	ssyncset.done $0x0  }
0x2d: {  	s2 =	simm.s32 $0x0;
	v3 =	vadd.s32 $0x3200, v1;
	v4 =	vadd.s32 $0x4B00, v1;
	v5 =	vadd.s32 $0x6400, v1;
	[sflag:s25] =	ssyncadd.s32 $0xFFFFE000  }
.LBB2_3:
0x2e: {  	s0 =	sshll.u32 s2, $0x4;
	v17 =	vlaneseq.u32  }
0x2f: {  	v8 =	vor.u32 s0, v17  }
0x30: {  	v6 =	vadd.s32 v3, v8  }
0x31: {  	v12 =	vor.u32 v1, v8  }
0x32: {  	v7 =	vadd.s32 v2, v8  }
0x33: {  	v9 =	vadd.s32 v5, v8  }
0x34: {  	v10 =	vadd.s32 v4, v8  }
0x35: {  	v6 =	vld.idx.msk [tilespmem:v6+s20+$0x0], $0xffff  }
0x36: {  	v11 =	vld.idx.msk [tilespmem:v12+s20+$0x0], $0xffff  }
0x37: {  	v7 =	vld.idx.msk [tilespmem:v7+s20+$0x0], $0xffff  }
0x38: {  	v9 =	vld.idx.msk [tilespmem:v9+s20+$0x0], $0xffff  }
0x39: {  	v18 =	vshll.u32 v17, $0x7;
	v13 =	vld.idx.msk [tilespmem:v10+s20+$0x0], $0xffff  }
0x3a: {  	v18 =	vadd.s32 v8, v18;
	v6 =	vshll.u32 v6, $0x6  }
0x3b: {  	v10 =	vshll.u32 v11, $0x6;
	v14 =	vor.u32 v6, v17  }
0x3c: {  	v7 =	vshll.u32 v7, $0x6;
	v15 =	vor.u32 v10, v17  }
0x3d: {  	v9 =	vshll.u32 v9, $0x6;
	v16 =	vor.u32 v7, v17  }
0x3e: {  	v19 =	vadd.s32 $0x1, v17;
	v12 =	vld.idx.msk [tilespmem:v12+s17+$0x0], $0xffff;
	v11 =	vshll.u32 v13, $0x6;
	v13 =	vor.u32 v9, v17  }
0x3f: {  	v21 =	vand.u32 $0x3F, v19;
	v19 =	vld.idx.msk [tilespmem:v18+s23+$0x0], $0xffff;
	v20 =	vor.u32 v11, v17  }
0x40: {  	v23 =	vld.idx.msk [tilespmem:v14+s3+$0x0], $0xffff;
	v14 =	vor.u32 v6, v21  }
0x41: {  	v25 =	vld.idx.msk [tilespmem:v15+s3+$0x0], $0xffff;
	v15 =	vor.u32 v11, v21  }
0x42: {  	v22 =	vor.u32 v9, v21;
	v30 =	vld.idx.msk [tilespmem:v16+s3+$0x0], $0xffff  }
0x43: {  	v24 =	vor.u32 v10, v21;
	v13 =	vld.idx.msk [tilespmem:v13+s3+$0x0], $0xffff  }
0x44: {  	v12 =	vshll.u32 v12, $0x6;
	v26 =	vor.u32 v7, v21;
	v20 =	vld.idx.msk [tilespmem:v20+s3+$0x0], $0xffff  }
0x45: {  	v27 =	vadd.s32 $0x2, v17;
	v18 =	vor.u32 v12, v17;
	v14 =	vld.idx.msk [tilespmem:v14+s3+$0x0], $0xffff  }
0x46: {  	v32 =	vand.u32 $0x3F, v27;
	v31 =	vor.u32 v12, v21;
	v16 =	vld.idx.msk [tilespmem:v15+s3+$0x0], $0xffff  }
0x47: {  	v36 =	vor.u32 v11, v32;
	v21 =	vshll.u32 v21, $0x7;
	v15 =	vld.idx.msk [tilespmem:v22+s3+$0x0], $0xffff  }
0x48: {  	v35 =	vimm.f32 $0.0e+00;
	v38 =	vimm.f32 $0.0e+00;
	v37 =	vadd.s32 v8, v21;
	v22 =	vld.idx.msk [tilespmem:v24+s3+$0x0], $0xffff  }
0x49: {  	v40 =	vadd.s32 $0x3, v17;
	v41 =	vor.u32 v7, v32;
	v21 =	vshll.u32 v32, $0x7;
	v24 =	vld.idx.msk [tilespmem:v26+s3+$0x0], $0xffff  }
0x4a: {  	v28 =	vor.u32 v12, v32;
	v34 =	vor.u32 v6, v32;
	v27 =	vadd.s32 v8, v21;
	v26 =	vld.idx.msk [tilespmem:v18+s3+$0x0], $0xffff  }
0x4b: {  	v17 =	vadd.s32 $0x4, v17;
	v29 =	vmul.f32 v13, v19;
	v13 =	vmul.f32 v20, v19;
	v18 =	vld.idx.msk [tilespmem:v31+s3+$0x0], $0xffff  }
0x4c: {  	v21 =	vor.u32 v9, v32;
	v33 =	vmul.f32 v23, v19;
	v31 =	vmul.f32 v25, v19;
	v23 =	vld.idx.msk [tilespmem:v36+s3+$0x0], $0xffff  }
0x4d: {  	v39 =	vmul.f32 v30, v19;
	v30 =	vor.u32 v10, v32;
	v36 =	vimm.f32 $0.0e+00;
	v20 =	vld.idx.msk [tilespmem:v37+s23+$0x0], $0xffff  }
0x4e: {  	s0 =	simm.s32 $0x0;
	v25 =	vld.idx.msk [tilespmem:v41+s3+$0x0], $0xffff;
	v32 =	vimm.f32 $0.0e+00;
	v37 =	vimm.f32 $0.0e+00;
	v13 =	vadd.f32 v13, v35  }
.LBB2_4:
0x4f: {  	s0 =	sadd.s32 $0x4, s0;
	v35 =	vadd.f32 v39, v35;
	v33 =	vadd.f32 v33, v38;
	v27 =	vld.idx.msk [tilespmem:v27+s23+$0x0], $0xffff;
	v38 =	vand.u32 $0x3F, v40  }
0x50: {  	v29 =	vadd.f32 v29, v37;
	v17 =	vand.u32 $0x3F, v17;
	p0 =	slt.u32 s0, $0x3C;
	v28 =	vld.idx.msk [tilespmem:v28+s3+$0x0], $0xffff;
	v37 =	vor.u32 v11, v38  }
0x51: {  	v19 =	vmul.f32 v26, v19;
	v26 =	vadd.f32 v31, v36;
	v31 =	vld.idx.msk [tilespmem:v34+s3+$0x0], $0xffff;
	v34 =	vor.u32 v10, v38  }
0x52: {  	v36 =	vor.u32 v12, v38;
	v39 =	vor.u32 v9, v38;
	v24 =	vmul.f32 v24, v20  }
0x53: {  	v19 =	vadd.f32 v19, v32;
	v22 =	vmul.f32 v22, v20;
	v32 =	vor.u32 v7, v38;
	v30 =	vld.idx.msk [tilespmem:v30+s3+$0x0], $0xffff  }
0x54: {  	v16 =	vmul.f32 v16, v20;
	v24 =	vadd.f32 v24, v35;
	v35 =	vor.u32 v6, v38;
	v21 =	vld.idx.msk [tilespmem:v21+s3+$0x0], $0xffff  }
0x55: {  	v14 =	vmul.f32 v14, v20;
	v22 =	vadd.f32 v22, v26;
	v26 =	vshll.u32 v38, $0x7;
	v37 =	vld.idx.msk [tilespmem:v37+s3+$0x0], $0xffff  }
0x56: {  	v15 =	vmul.f32 v15, v20;
	v38 =	vor.u32 v6, v17;
	v25 =	vmul.f32 v25, v27;
	v34 =	vld.idx.msk [tilespmem:v34+s3+$0x0], $0xffff  }
0x57: {  	v40 =	vor.u32 v7, v17;
	v23 =	vmul.f32 v23, v27;
	v26 =	vadd.s32 v8, v26;
	v39 =	vld.idx.msk [tilespmem:v39+s3+$0x0], $0xffff  }
0x58: {  	v41 =	vor.u32 v10, v17;
	v42 =	vor.u32 v9, v17;
	v28 =	vmul.f32 v28, v27;
	v32 =	vld.idx.msk [tilespmem:v32+s3+$0x0], $0xffff  }
0x59: {  	v43 =	vshll.u32 v17, $0x7;
	v44 =	vadd.s32 $0x1, v17;
	v31 =	vmul.f32 v31, v27;
	v36 =	vld.idx.msk [tilespmem:v36+s3+$0x0], $0xffff  }
0x5a: {  	v45 =	vor.u32 v12, v17;
	v43 =	vadd.s32 v8, v43;
	v14 =	vadd.f32 v14, v33;
	v33 =	vld.idx.msk [tilespmem:v35+s3+$0x0], $0xffff  }
0x5b: {  	v44 =	vand.u32 $0x3F, v44;
	v18 =	vmul.f32 v18, v20;
	v35 =	vld.idx.msk [tilespmem:v38+s3+$0x0], $0xffff;
	v38 =	vor.u32 v11, v17  }
0x5c: {  	v20 =	vor.u32 v12, v44;
	v46 =	vor.u32 v7, v44;
	v21 =	vmul.f32 v21, v27;
	v47 =	vld.idx.msk [tilespmem:v26+s23+$0x0], $0xffff  }
0x5d: {  	v48 =	vor.u32 v6, v44;
	v15 =	vadd.f32 v15, v29;
	v26 =	vshll.u32 v44, $0x7;
	v41 =	vld.idx.msk [tilespmem:v41+s3+$0x0], $0xffff  }
0x5e: {  	v49 =	vor.u32 v9, v44;
	v29 =	vor.u32 v11, v44;
	v27 =	vmul.f32 v30, v27;
	v40 =	vld.idx.msk [tilespmem:v40+s3+$0x0], $0xffff  }
0x5f: {  	v25 =	vadd.f32 v25, v24;
	v50 =	vadd.f32 v31, v14;
	v30 =	vld.idx.msk [tilespmem:v42+s3+$0x0], $0xffff;
	v42 =	vadd.s32 v8, v26  }
0x60: {  	v18 =	vadd.f32 v18, v19;
	v24 =	vor.u32 v10, v44;
	v44 =	vadd.f32 v27, v22;
	v31 =	vld.idx.msk [tilespmem:v38+s3+$0x0], $0xffff  }
0x61: {  	v13 =	vadd.f32 v16, v13;
	v19 =	vld.idx.msk [tilespmem:v43+s23+$0x0], $0xffff;
	v43 =	vadd.f32 v21, v15  }
0x62: {  	v38 =	vadd.f32 v28, v18;
	v15 =	vadd.s32 $0x2, v17;
	v36 =	vmul.f32 v36, v47;
	v14 =	vld.idx.msk [tilespmem:v48+s3+$0x0], $0xffff  }
0x63: {  	v13 =	vadd.f32 v23, v13;
	v51 =	vmul.f32 v32, v47;
	v48 =	vand.u32 $0x3F, v15;
	v16 =	vld.idx.msk [tilespmem:v29+s3+$0x0], $0xffff  }
0x64: {  	v18 =	vshll.u32 v48, $0x7;
	v23 =	vor.u32 v11, v48;
	v15 =	vld.idx.msk [tilespmem:v49+s3+$0x0], $0xffff;
	v49 =	vmul.f32 v34, v47  }
0x65: {  	v21 =	vor.u32 v9, v48;
	v27 =	vadd.s32 v8, v18;
	v18 =	vmul.f32 v37, v47;
	v22 =	vld.idx.msk [tilespmem:v24+s3+$0x0], $0xffff  }
0x66: {  	v28 =	vor.u32 v12, v48;
	v34 =	vmul.f32 v33, v47;
	v24 =	vld.idx.msk [tilespmem:v46+s3+$0x0], $0xffff;
	v46 =	vor.u32 v7, v48  }
0x67: {  	v29 =	vmul.f32 v30, v19;
	v13 =	vadd.f32 v18, v13;
	v30 =	vmul.f32 v39, v47;
	v26 =	vld.idx.msk [tilespmem:v45+s3+$0x0], $0xffff  }
.Ltmp0:
0x68: {  	v32 =	vadd.f32 v36, v38;
	v33 =	vmul.f32 v35, v19;
	v45 =	vmul.f32 v31, v19;
	v18 =	vld.idx.msk [tilespmem:v20+s3+$0x0], $0xffff;
	(pc) =	sbr.rel @p0 .LBB2_4-.Ltmp0, $4  }
0x69: {  	v38 =	vadd.f32 v34, v50;
	v31 =	vmul.f32 v41, v19;
	v37 =	vadd.f32 v30, v43;
	v23 =	vld.idx.msk [tilespmem:v23+s3+$0x0], $0xffff  }
0x6a: {  	v34 =	vor.u32 v6, v48;
	v36 =	vadd.f32 v49, v44;
	v35 =	vadd.f32 v51, v25;
	v20 =	vld.idx.msk [tilespmem:v42+s23+$0x0], $0xffff  }
0x6b: {  	v39 =	vmul.f32 v40, v19;
	v30 =	vor.u32 v10, v48;
	v25 =	vld.idx.msk [tilespmem:v46+s3+$0x0], $0xffff  }
0x6c: {  	v40 =	vadd.s32 $0x3, v17;
	v17 =	vadd.s32 $0x4, v17;
	v13 =	vadd.f32 v45, v13  }
0x6d: {  	_ =	sdelay $0x2  }
0x6e: {  	v17 =	vand.u32 $0x3F, v40  }
0x6f: {  	v27 =	vld.idx.msk [tilespmem:v27+s23+$0x0], $0xffff;
	v12 =	vor.u32 v12, v17  }
0x70: {  	v28 =	vld.idx.msk [tilespmem:v28+s3+$0x0], $0xffff;
	v10 =	vor.u32 v10, v17  }
0x71: {  	v34 =	vld.idx.msk [tilespmem:v34+s3+$0x0], $0xffff;
	v40 =	vshll.u32 v17, $0x7;
	v7 =	vor.u32 v7, v17  }
0x72: {  	v35 =	vadd.f32 v39, v35;
	v33 =	vadd.f32 v33, v38;
	v30 =	vld.idx.msk [tilespmem:v30+s3+$0x0], $0xffff;
	v8 =	vadd.s32 v8, v40  }
0x73: {  	v29 =	vadd.f32 v29, v37;
	v19 =	vmul.f32 v26, v19;
	v21 =	vld.idx.msk [tilespmem:v21+s3+$0x0], $0xffff;
	v11 =	vor.u32 v11, v17  }
0x74: {  	v9 =	vor.u32 v9, v17;
	v6 =	vor.u32 v6, v17;
	v24 =	vmul.f32 v24, v20;
	v12 =	vld.idx.msk [tilespmem:v12+s3+$0x0], $0xffff  }
0x75: {  	v19 =	vadd.f32 v19, v32;
	v22 =	vmul.f32 v22, v20;
	v18 =	vmul.f32 v18, v20;
	v10 =	vld.idx.msk [tilespmem:v10+s3+$0x0], $0xffff  }
0x76: {  	v41 =	vadd.f32 v31, v36;
	v16 =	vmul.f32 v16, v20;
	v14 =	vmul.f32 v14, v20;
	v7 =	vld.idx.msk [tilespmem:v7+s3+$0x0], $0xffff  }
0x77: {  	v15 =	vmul.f32 v15, v20;
	v24 =	vadd.f32 v24, v35;
	v18 =	vadd.f32 v18, v19;
	v8 =	vld.idx.msk [tilespmem:v8+s23+$0x0], $0xffff  }
0x78: {  	v44 =	vadd.f32 v22, v41;
	v14 =	vadd.f32 v14, v33;
	v28 =	vmul.f32 v28, v27;
	v11 =	vld.idx.msk [tilespmem:v11+s3+$0x0], $0xffff  }
0x79: {  	v15 =	vadd.f32 v15, v29;
	v42 =	vmul.f32 v25, v27;
	v46 =	vmul.f32 v30, v27;
	v6 =	vld.idx.msk [tilespmem:v6+s3+$0x0], $0xffff  }
0x7a: {  	v13 =	vadd.f32 v16, v13;
	v43 =	vmul.f32 v23, v27;
	v45 =	vmul.f32 v34, v27;
	v9 =	vld.idx.msk [tilespmem:v9+s3+$0x0], $0xffff  }
0x7b: {  	v21 =	vmul.f32 v21, v27;
	v18 =	vadd.f32 v28, v18;
	v47 =	vadd.f32 v46, v44  }
0x7c: {  	v17 =	vadd.f32 v42, v24;
	v14 =	vadd.f32 v45, v14;
	v12 =	vmul.f32 v12, v8  }
0x7d: {  	v15 =	vadd.f32 v21, v15;
	v10 =	vmul.f32 v10, v8;
	v7 =	vmul.f32 v7, v8  }
0x7e: {  	v13 =	vadd.f32 v43, v13;
	v11 =	vmul.f32 v11, v8;
	v6 =	vmul.f32 v6, v8  }
0x7f: {  	v8 =	vmul.f32 v9, v8;
	v12 =	vadd.f32 v12, v18;
	v10 =	vadd.f32 v10, v47  }
0x80: {  	v7 =	vadd.f32 v7, v17;
	v11 =	vadd.f32 v11, v13  }
0x81: {  	v6 =	vadd.f32 v6, v14;
	v8 =	vadd.f32 v8, v15  }
0x82: {  	v48 =	vmax.f32 v12, $-1.600000000e+01;
	v18 =	vxor.u32 $0x80000000, v10;
	v54 =	vxor.u32 $0x80000000, v7  }
0x83: {  	v56 =	vxor.u32 $0x80000000, v6;
	v57 =	vxor.u32 $0x80000000, v11;
	v49 =	vmin.f32 v48, $1.600000000e+01  }
0x84: {  	v58 =	vxor.u32 $0x80000000, v8;
	v18 =	vmax.f32 v18, $-1.600000000e+01;
	v16 =	vadd.f32 $1.600000000e+01, v49  }
0x85: {  	v13 =	vmax.f32 v54, $-1.600000000e+01;
	v15 =	vmax.f32 v56, $-1.600000000e+01;
	v50 =	vmin.f32 v18, $1.600000000e+01  }
0x86: {  	v13 =	vmin.f32 v13, $1.600000000e+01;
	v52 =	vadd.f32 $1.600000000e+01, v50;
	v16 =	vmul.f32 $3.200000000e+01, v16  }
0x87: {  	v17 =	vmax.f32 v58, $-1.600000000e+01;
	v15 =	vmin.f32 v15, $1.600000000e+01;
	v13 =	vadd.f32 $1.600000000e+01, v13  }
0x88: {  	v15 =	vadd.f32 $1.600000000e+01, v15;
	v55 =	vmul.f32 $3.200000000e+01, v52;
	v51 =	vtrunc.f32 v16  }
0x89: {  	v17 =	vmin.f32 v17, $1.600000000e+01;
	v13 =	vmul.f32 $3.200000000e+01, v13;
	v53 =	vcvt.f32.s32 v51  }
0x8a: {  	v15 =	vmul.f32 $3.200000000e+01, v15;
	v16 =	vmax.f32 v57, $-1.600000000e+01;
	v14 =	vtrunc.f32 v55  }
0x8b: {  	v16 =	vmin.f32 v16, $1.600000000e+01;
	v14 =	vcvt.f32.s32 v14;
	vm0 =	vlt.s32 v53, $0x3FF  }
0x8c: {  	v13 =	vtrunc.f32 v13;
	v16 =	vadd.f32 $1.600000000e+01, v16;
	v9 =	vnsel vm0, $0x3FF, v53  }
0x8d: {  	v17 =	vadd.f32 $1.600000000e+01, v17;
	v13 =	vcvt.f32.s32 v13;
	vm11 =	vlt.s32 v14, $0x3FF  }
0x8e: {  	v15 =	vtrunc.f32 v15;
	v16 =	vmul.f32 $3.200000000e+01, v16;
	v14 =	vnsel vm11, $0x3FF, v14  }
0x8f: {  	v15 =	vcvt.f32.s32 v15;
	vm12 =	vlt.s32 v13, $0x3FF  }
0x90: {  	v17 =	vmul.f32 $3.200000000e+01, v17;
	v13 =	vnsel vm12, $0x3FF, v13;
	v16 =	vtrunc.f32 v16  }
0x91: {  	vm13 =	vlt.s32 v15, $0x3FF;
	v16 =	vcvt.f32.s32 v16;
	v9 =	vld.idx.msk [tilespmem:v9+s14+$0x0], $0xffff  }
0x92: {  	v17 =	vtrunc.f32 v17;
	v15 =	vnsel vm13, $0x3FF, v15  }
0x93: {  	v12 =	vadd.f32 $1.600000000e+01, v12;
	v17 =	vcvt.f32.s32 v17;
	vm14 =	vlt.s32 v16, $0x3FF;
	v14 =	vld.idx.msk [tilespmem:v14+s14+$0x0], $0xffff  }
0x94: {  	v16 =	vnsel vm14, $0x3FF, v16  }
0x95: {  	v10 =	vsub.f32 $1.600000000e+01, v10;
	v12 =	vmin.f32 v12, $0.0e+00;
	vm15 =	vlt.s32 v17, $0x3FF;
	v13 =	vld.idx.msk [tilespmem:v13+s14+$0x0], $0xffff  }
0x96: {  	v59 =	vnsel vm15, $0x3FF, v17;
	v9 =	vadd.f32 v9, v12  }
0x97: {  	v7 =	vsub.f32 $1.600000000e+01, v7;
	v10 =	vmin.f32 v10, $0.0e+00;
	v15 =	vld.idx.msk [tilespmem:v15+s14+$0x0], $0xffff  }
0x98: {  	v60 =	vadd.f32 v14, v10;
	v0 =	vadd.f32 v9, v0  }
0x99: {  	v6 =	vsub.f32 $1.600000000e+01, v6;
	v7 =	vmin.f32 v7, $0.0e+00;
	v61 =	vld.idx.msk [tilespmem:v16+s14+$0x0], $0xffff  }
0x9a: {  	v7 =	vadd.f32 v13, v7;
	v0 =	vadd.f32 v60, v0  }
0x9b: {  	v62 =	vsub.f32 $1.600000000e+01, v11;
	v6 =	vmin.f32 v6, $0.0e+00;
	v63 =	vld.idx.msk [tilespmem:v59+s14+$0x0], $0xffff  }
0x9c: {  	s2 =	sadd.s32 $0x1, s2;
	v6 =	vadd.f32 v15, v6;
	v0 =	vadd.f32 v7, v0  }
0x9d: {  	p0 =	sne.s32 s2, $0x8;
	v8 =	vsub.f32 $1.600000000e+01, v8;
	v7 =	vmin.f32 v62, $0.0e+00  }
.Ltmp1:
0x9e: {  	v0 =	vadd.f32 v6, v0;
	v6 =	vadd.f32 v61, v7;
	(pc) =	sbr.rel @p0 .LBB2_3-.Ltmp1, $3  }
0x9f: {  	v7 =	vmin.f32 v8, $0.0e+00  }
0xa0: {  	v0 =	vadd.f32 v6, v0;
	v6 =	vadd.f32 v63, v7;
	_ =	sdelay $0x1  }
0xa1: {  	v0 =	vadd.f32 v6, v0  }
0xa2: {  	p0 =	seq.s32 s30, $0x18  }
0xa3: {  	s0 =	sshll.u32 @!p0 s30, $0x13  }
0xa4: {  	s0 =	sadd.s32 @!p0 s10, s0  }
0xa5: {  	v1 =	vmov s31;
	s2 =	simm.s32 @!p0 $0x400;
	s0 =	sshrl.u32 @!p0 s0, $0x3  }
0xa6: {  	s31 =	simm.s32 @!p0 $0x8000;
	s19 =	simm.s32 @!p0 $0xFE00;
	v1 =	vshll.u32 v1, $0x7;
	s0 =	sadd.s32 @!p0 s1, s0  }
0xa7: {  	v1 =	vbroadcast v1, $0x0;
	[tilespmem:s19], [sflag:$0x1] =	stream.strided.gather @!p0 [hbm4b:s0+s2], $0x2000, s31, s2, $0x38;
	[tilespmem:$0x1DA80] =	vst v63  }
0xa8: {  	_ =	swait.ge [sflag:s26], $0x2000  }
0xa9: {  	v2 =	vadd.s32 $0x1900, v1;
	[sflag:s26] =	ssyncset.done $0x0  }
0xaa: {  	v3 =	vadd.s32 $0x3200, v1;
	v4 =	vadd.s32 $0x4B00, v1;
	v5 =	vadd.s32 $0x6400, v1;
	s2 =	simm.s32 $0x0;
	[sflag:s26] =	ssyncadd.s32 $0xFFFFE000  }
.LBB2_7:
0xab: {  	s0 =	sshll.u32 s2, $0x4;
	v17 =	vlaneseq.u32  }
0xac: {  	v8 =	vor.u32 s0, v17  }
0xad: {  	v6 =	vadd.s32 v3, v8  }
0xae: {  	v12 =	vor.u32 v1, v8  }
0xaf: {  	v7 =	vadd.s32 v2, v8  }
0xb0: {  	v9 =	vadd.s32 v5, v8  }
0xb1: {  	v10 =	vadd.s32 v4, v8  }
0xb2: {  	v6 =	vld.idx.msk [tilespmem:v6+s20+$0x0], $0xffff  }
0xb3: {  	v11 =	vld.idx.msk [tilespmem:v12+s20+$0x0], $0xffff  }
0xb4: {  	v7 =	vld.idx.msk [tilespmem:v7+s20+$0x0], $0xffff  }
0xb5: {  	v9 =	vld.idx.msk [tilespmem:v9+s20+$0x0], $0xffff  }
0xb6: {  	v18 =	vshll.u32 v17, $0x7;
	v13 =	vld.idx.msk [tilespmem:v10+s20+$0x0], $0xffff  }
0xb7: {  	v18 =	vadd.s32 v8, v18;
	v6 =	vshll.u32 v6, $0x6  }
0xb8: {  	v10 =	vshll.u32 v11, $0x6;
	v14 =	vor.u32 v6, v17  }
0xb9: {  	v7 =	vshll.u32 v7, $0x6;
	v15 =	vor.u32 v10, v17  }
0xba: {  	v9 =	vshll.u32 v9, $0x6;
	v16 =	vor.u32 v7, v17  }
0xbb: {  	v19 =	vadd.s32 $0x1, v17;
	v12 =	vld.idx.msk [tilespmem:v12+s17+$0x0], $0xffff;
	v11 =	vshll.u32 v13, $0x6;
	v13 =	vor.u32 v9, v17  }
0xbc: {  	v21 =	vand.u32 $0x3F, v19;
	v19 =	vld.idx.msk [tilespmem:v18+s24+$0x0], $0xffff;
	v20 =	vor.u32 v11, v17  }
0xbd: {  	v23 =	vld.idx.msk [tilespmem:v14+s3+$0x0], $0xffff;
	v14 =	vor.u32 v6, v21  }
0xbe: {  	v25 =	vld.idx.msk [tilespmem:v15+s3+$0x0], $0xffff;
	v15 =	vor.u32 v11, v21  }
0xbf: {  	v22 =	vor.u32 v9, v21;
	v30 =	vld.idx.msk [tilespmem:v16+s3+$0x0], $0xffff  }
0xc0: {  	v24 =	vor.u32 v10, v21;
	v13 =	vld.idx.msk [tilespmem:v13+s3+$0x0], $0xffff  }
0xc1: {  	v12 =	vshll.u32 v12, $0x6;
	v26 =	vor.u32 v7, v21;
	v20 =	vld.idx.msk [tilespmem:v20+s3+$0x0], $0xffff  }
0xc2: {  	v27 =	vadd.s32 $0x2, v17;
	v18 =	vor.u32 v12, v17;
	v14 =	vld.idx.msk [tilespmem:v14+s3+$0x0], $0xffff  }
0xc3: {  	v32 =	vand.u32 $0x3F, v27;
	v31 =	vor.u32 v12, v21;
	v16 =	vld.idx.msk [tilespmem:v15+s3+$0x0], $0xffff  }
0xc4: {  	v36 =	vor.u32 v11, v32;
	v21 =	vshll.u32 v21, $0x7;
	v15 =	vld.idx.msk [tilespmem:v22+s3+$0x0], $0xffff  }
0xc5: {  	v35 =	vimm.f32 $0.0e+00;
	v38 =	vimm.f32 $0.0e+00;
	v37 =	vadd.s32 v8, v21;
	v22 =	vld.idx.msk [tilespmem:v24+s3+$0x0], $0xffff  }
0xc6: {  	v40 =	vadd.s32 $0x3, v17;
	v41 =	vor.u32 v7, v32;
	v21 =	vshll.u32 v32, $0x7;
	v24 =	vld.idx.msk [tilespmem:v26+s3+$0x0], $0xffff  }
0xc7: {  	v28 =	vor.u32 v12, v32;
	v34 =	vor.u32 v6, v32;
	v27 =	vadd.s32 v8, v21;
	v26 =	vld.idx.msk [tilespmem:v18+s3+$0x0], $0xffff  }
0xc8: {  	v17 =	vadd.s32 $0x4, v17;
	v29 =	vmul.f32 v13, v19;
	v13 =	vmul.f32 v20, v19;
	v18 =	vld.idx.msk [tilespmem:v31+s3+$0x0], $0xffff  }
0xc9: {  	v21 =	vor.u32 v9, v32;
	v33 =	vmul.f32 v23, v19;
	v31 =	vmul.f32 v25, v19;
	v23 =	vld.idx.msk [tilespmem:v36+s3+$0x0], $0xffff  }
0xca: {  	v39 =	vmul.f32 v30, v19;
	v30 =	vor.u32 v10, v32;
	v36 =	vimm.f32 $0.0e+00;
	v20 =	vld.idx.msk [tilespmem:v37+s24+$0x0], $0xffff  }
0xcb: {  	s0 =	simm.s32 $0x0;
	v25 =	vld.idx.msk [tilespmem:v41+s3+$0x0], $0xffff;
	v32 =	vimm.f32 $0.0e+00;
	v37 =	vimm.f32 $0.0e+00;
	v13 =	vadd.f32 v13, v35  }
.LBB2_8:
0xcc: {  	s0 =	sadd.s32 $0x4, s0;
	v35 =	vadd.f32 v39, v35;
	v33 =	vadd.f32 v33, v38;
	v27 =	vld.idx.msk [tilespmem:v27+s24+$0x0], $0xffff;
	v38 =	vand.u32 $0x3F, v40  }
0xcd: {  	v29 =	vadd.f32 v29, v37;
	v17 =	vand.u32 $0x3F, v17;
	p0 =	slt.u32 s0, $0x3C;
	v28 =	vld.idx.msk [tilespmem:v28+s3+$0x0], $0xffff;
	v37 =	vor.u32 v11, v38  }
0xce: {  	v19 =	vmul.f32 v26, v19;
	v26 =	vadd.f32 v31, v36;
	v31 =	vld.idx.msk [tilespmem:v34+s3+$0x0], $0xffff;
	v34 =	vor.u32 v10, v38  }
0xcf: {  	v36 =	vor.u32 v12, v38;
	v39 =	vor.u32 v9, v38;
	v24 =	vmul.f32 v24, v20  }
0xd0: {  	v19 =	vadd.f32 v19, v32;
	v22 =	vmul.f32 v22, v20;
	v32 =	vor.u32 v7, v38;
	v30 =	vld.idx.msk [tilespmem:v30+s3+$0x0], $0xffff  }
0xd1: {  	v16 =	vmul.f32 v16, v20;
	v24 =	vadd.f32 v24, v35;
	v35 =	vor.u32 v6, v38;
	v21 =	vld.idx.msk [tilespmem:v21+s3+$0x0], $0xffff  }
0xd2: {  	v14 =	vmul.f32 v14, v20;
	v22 =	vadd.f32 v22, v26;
	v26 =	vshll.u32 v38, $0x7;
	v37 =	vld.idx.msk [tilespmem:v37+s3+$0x0], $0xffff  }
0xd3: {  	v15 =	vmul.f32 v15, v20;
	v38 =	vor.u32 v6, v17;
	v25 =	vmul.f32 v25, v27;
	v34 =	vld.idx.msk [tilespmem:v34+s3+$0x0], $0xffff  }
0xd4: {  	v40 =	vor.u32 v7, v17;
	v23 =	vmul.f32 v23, v27;
	v26 =	vadd.s32 v8, v26;
	v39 =	vld.idx.msk [tilespmem:v39+s3+$0x0], $0xffff  }
0xd5: {  	v41 =	vor.u32 v10, v17;
	v42 =	vor.u32 v9, v17;
	v28 =	vmul.f32 v28, v27;
	v32 =	vld.idx.msk [tilespmem:v32+s3+$0x0], $0xffff  }
0xd6: {  	v43 =	vshll.u32 v17, $0x7;
	v44 =	vadd.s32 $0x1, v17;
	v31 =	vmul.f32 v31, v27;
	v36 =	vld.idx.msk [tilespmem:v36+s3+$0x0], $0xffff  }
0xd7: {  	v45 =	vor.u32 v12, v17;
	v43 =	vadd.s32 v8, v43;
	v14 =	vadd.f32 v14, v33;
	v33 =	vld.idx.msk [tilespmem:v35+s3+$0x0], $0xffff  }
0xd8: {  	v44 =	vand.u32 $0x3F, v44;
	v18 =	vmul.f32 v18, v20;
	v35 =	vld.idx.msk [tilespmem:v38+s3+$0x0], $0xffff;
	v38 =	vor.u32 v11, v17  }
0xd9: {  	v20 =	vor.u32 v12, v44;
	v46 =	vor.u32 v7, v44;
	v21 =	vmul.f32 v21, v27;
	v47 =	vld.idx.msk [tilespmem:v26+s24+$0x0], $0xffff  }
0xda: {  	v48 =	vor.u32 v6, v44;
	v15 =	vadd.f32 v15, v29;
	v26 =	vshll.u32 v44, $0x7;
	v41 =	vld.idx.msk [tilespmem:v41+s3+$0x0], $0xffff  }
0xdb: {  	v49 =	vor.u32 v9, v44;
	v29 =	vor.u32 v11, v44;
	v27 =	vmul.f32 v30, v27;
	v40 =	vld.idx.msk [tilespmem:v40+s3+$0x0], $0xffff  }
0xdc: {  	v25 =	vadd.f32 v25, v24;
	v50 =	vadd.f32 v31, v14;
	v30 =	vld.idx.msk [tilespmem:v42+s3+$0x0], $0xffff;
	v42 =	vadd.s32 v8, v26  }
0xdd: {  	v18 =	vadd.f32 v18, v19;
	v24 =	vor.u32 v10, v44;
	v44 =	vadd.f32 v27, v22;
	v31 =	vld.idx.msk [tilespmem:v38+s3+$0x0], $0xffff  }
0xde: {  	v13 =	vadd.f32 v16, v13;
	v19 =	vld.idx.msk [tilespmem:v43+s24+$0x0], $0xffff;
	v43 =	vadd.f32 v21, v15  }
0xdf: {  	v38 =	vadd.f32 v28, v18;
	v15 =	vadd.s32 $0x2, v17;
	v36 =	vmul.f32 v36, v47;
	v14 =	vld.idx.msk [tilespmem:v48+s3+$0x0], $0xffff  }
0xe0: {  	v13 =	vadd.f32 v23, v13;
	v51 =	vmul.f32 v32, v47;
	v48 =	vand.u32 $0x3F, v15;
	v16 =	vld.idx.msk [tilespmem:v29+s3+$0x0], $0xffff  }
0xe1: {  	v18 =	vshll.u32 v48, $0x7;
	v23 =	vor.u32 v11, v48;
	v15 =	vld.idx.msk [tilespmem:v49+s3+$0x0], $0xffff;
	v49 =	vmul.f32 v34, v47  }
0xe2: {  	v21 =	vor.u32 v9, v48;
	v27 =	vadd.s32 v8, v18;
	v18 =	vmul.f32 v37, v47;
	v22 =	vld.idx.msk [tilespmem:v24+s3+$0x0], $0xffff  }
0xe3: {  	v28 =	vor.u32 v12, v48;
	v34 =	vmul.f32 v33, v47;
	v24 =	vld.idx.msk [tilespmem:v46+s3+$0x0], $0xffff;
	v46 =	vor.u32 v7, v48  }
0xe4: {  	v29 =	vmul.f32 v30, v19;
	v13 =	vadd.f32 v18, v13;
	v30 =	vmul.f32 v39, v47;
	v26 =	vld.idx.msk [tilespmem:v45+s3+$0x0], $0xffff  }
.Ltmp2:
0xe5: {  	v32 =	vadd.f32 v36, v38;
	v33 =	vmul.f32 v35, v19;
	v45 =	vmul.f32 v31, v19;
	v18 =	vld.idx.msk [tilespmem:v20+s3+$0x0], $0xffff;
	(pc) =	sbr.rel @p0 .LBB2_8-.Ltmp2, $4  }
0xe6: {  	v38 =	vadd.f32 v34, v50;
	v31 =	vmul.f32 v41, v19;
	v37 =	vadd.f32 v30, v43;
	v23 =	vld.idx.msk [tilespmem:v23+s3+$0x0], $0xffff  }
0xe7: {  	v34 =	vor.u32 v6, v48;
	v36 =	vadd.f32 v49, v44;
	v35 =	vadd.f32 v51, v25;
	v20 =	vld.idx.msk [tilespmem:v42+s24+$0x0], $0xffff  }
0xe8: {  	v39 =	vmul.f32 v40, v19;
	v30 =	vor.u32 v10, v48;
	v25 =	vld.idx.msk [tilespmem:v46+s3+$0x0], $0xffff  }
0xe9: {  	v40 =	vadd.s32 $0x3, v17;
	v17 =	vadd.s32 $0x4, v17;
	v13 =	vadd.f32 v45, v13  }
0xea: {  	_ =	sdelay $0x2  }
0xeb: {  	v17 =	vand.u32 $0x3F, v40  }
0xec: {  	v27 =	vld.idx.msk [tilespmem:v27+s24+$0x0], $0xffff;
	v12 =	vor.u32 v12, v17  }
0xed: {  	v28 =	vld.idx.msk [tilespmem:v28+s3+$0x0], $0xffff;
	v10 =	vor.u32 v10, v17  }
0xee: {  	v34 =	vld.idx.msk [tilespmem:v34+s3+$0x0], $0xffff;
	v40 =	vshll.u32 v17, $0x7;
	v7 =	vor.u32 v7, v17  }
0xef: {  	v35 =	vadd.f32 v39, v35;
	v33 =	vadd.f32 v33, v38;
	v30 =	vld.idx.msk [tilespmem:v30+s3+$0x0], $0xffff;
	v8 =	vadd.s32 v8, v40  }
0xf0: {  	v29 =	vadd.f32 v29, v37;
	v19 =	vmul.f32 v26, v19;
	v21 =	vld.idx.msk [tilespmem:v21+s3+$0x0], $0xffff;
	v11 =	vor.u32 v11, v17  }
0xf1: {  	v9 =	vor.u32 v9, v17;
	v6 =	vor.u32 v6, v17;
	v24 =	vmul.f32 v24, v20;
	v12 =	vld.idx.msk [tilespmem:v12+s3+$0x0], $0xffff  }
0xf2: {  	v19 =	vadd.f32 v19, v32;
	v22 =	vmul.f32 v22, v20;
	v18 =	vmul.f32 v18, v20;
	v10 =	vld.idx.msk [tilespmem:v10+s3+$0x0], $0xffff  }
0xf3: {  	v41 =	vadd.f32 v31, v36;
	v16 =	vmul.f32 v16, v20;
	v14 =	vmul.f32 v14, v20;
	v7 =	vld.idx.msk [tilespmem:v7+s3+$0x0], $0xffff  }
0xf4: {  	v15 =	vmul.f32 v15, v20;
	v24 =	vadd.f32 v24, v35;
	v18 =	vadd.f32 v18, v19;
	v8 =	vld.idx.msk [tilespmem:v8+s24+$0x0], $0xffff  }
0xf5: {  	v44 =	vadd.f32 v22, v41;
	v14 =	vadd.f32 v14, v33;
	v28 =	vmul.f32 v28, v27;
	v11 =	vld.idx.msk [tilespmem:v11+s3+$0x0], $0xffff  }
0xf6: {  	v15 =	vadd.f32 v15, v29;
	v42 =	vmul.f32 v25, v27;
	v46 =	vmul.f32 v30, v27;
	v6 =	vld.idx.msk [tilespmem:v6+s3+$0x0], $0xffff  }
0xf7: {  	v13 =	vadd.f32 v16, v13;
	v43 =	vmul.f32 v23, v27;
	v45 =	vmul.f32 v34, v27;
	v9 =	vld.idx.msk [tilespmem:v9+s3+$0x0], $0xffff  }
0xf8: {  	v21 =	vmul.f32 v21, v27;
	v18 =	vadd.f32 v28, v18;
	v47 =	vadd.f32 v46, v44  }
0xf9: {  	v17 =	vadd.f32 v42, v24;
	v14 =	vadd.f32 v45, v14;
	v12 =	vmul.f32 v12, v8  }
0xfa: {  	v15 =	vadd.f32 v21, v15;
	v10 =	vmul.f32 v10, v8;
	v7 =	vmul.f32 v7, v8  }
0xfb: {  	v13 =	vadd.f32 v43, v13;
	v11 =	vmul.f32 v11, v8;
	v6 =	vmul.f32 v6, v8  }
0xfc: {  	v8 =	vmul.f32 v9, v8;
	v12 =	vadd.f32 v12, v18;
	v10 =	vadd.f32 v10, v47  }
0xfd: {  	v7 =	vadd.f32 v7, v17;
	v11 =	vadd.f32 v11, v13  }
0xfe: {  	v6 =	vadd.f32 v6, v14;
	v8 =	vadd.f32 v8, v15  }
0xff: {  	v48 =	vmax.f32 v12, $-1.600000000e+01;
	v18 =	vxor.u32 $0x80000000, v10;
	v54 =	vxor.u32 $0x80000000, v7  }
0x100: {  	v56 =	vxor.u32 $0x80000000, v6;
	v57 =	vxor.u32 $0x80000000, v11;
	v49 =	vmin.f32 v48, $1.600000000e+01  }
0x101: {  	v58 =	vxor.u32 $0x80000000, v8;
	v18 =	vmax.f32 v18, $-1.600000000e+01;
	v16 =	vadd.f32 $1.600000000e+01, v49  }
0x102: {  	v13 =	vmax.f32 v54, $-1.600000000e+01;
	v15 =	vmax.f32 v56, $-1.600000000e+01;
	v50 =	vmin.f32 v18, $1.600000000e+01  }
0x103: {  	v13 =	vmin.f32 v13, $1.600000000e+01;
	v52 =	vadd.f32 $1.600000000e+01, v50;
	v16 =	vmul.f32 $3.200000000e+01, v16  }
0x104: {  	v17 =	vmax.f32 v58, $-1.600000000e+01;
	v15 =	vmin.f32 v15, $1.600000000e+01;
	v13 =	vadd.f32 $1.600000000e+01, v13  }
0x105: {  	v15 =	vadd.f32 $1.600000000e+01, v15;
	v55 =	vmul.f32 $3.200000000e+01, v52;
	v51 =	vtrunc.f32 v16  }
0x106: {  	v17 =	vmin.f32 v17, $1.600000000e+01;
	v13 =	vmul.f32 $3.200000000e+01, v13;
	v53 =	vcvt.f32.s32 v51  }
0x107: {  	v15 =	vmul.f32 $3.200000000e+01, v15;
	v16 =	vmax.f32 v57, $-1.600000000e+01;
	v14 =	vtrunc.f32 v55  }
0x108: {  	v16 =	vmin.f32 v16, $1.600000000e+01;
	v14 =	vcvt.f32.s32 v14;
	vm0 =	vlt.s32 v53, $0x3FF  }
0x109: {  	v13 =	vtrunc.f32 v13;
	v16 =	vadd.f32 $1.600000000e+01, v16;
	v9 =	vnsel vm0, $0x3FF, v53  }
0x10a: {  	v17 =	vadd.f32 $1.600000000e+01, v17;
	v13 =	vcvt.f32.s32 v13;
	vm11 =	vlt.s32 v14, $0x3FF  }
0x10b: {  	v15 =	vtrunc.f32 v15;
	v16 =	vmul.f32 $3.200000000e+01, v16;
	v14 =	vnsel vm11, $0x3FF, v14  }
0x10c: {  	v15 =	vcvt.f32.s32 v15;
	vm12 =	vlt.s32 v13, $0x3FF  }
0x10d: {  	v17 =	vmul.f32 $3.200000000e+01, v17;
	v13 =	vnsel vm12, $0x3FF, v13;
	v16 =	vtrunc.f32 v16  }
0x10e: {  	vm13 =	vlt.s32 v15, $0x3FF;
	v16 =	vcvt.f32.s32 v16;
	v9 =	vld.idx.msk [tilespmem:v9+s14+$0x0], $0xffff  }
0x10f: {  	v17 =	vtrunc.f32 v17;
	v15 =	vnsel vm13, $0x3FF, v15  }
0x110: {  	v12 =	vadd.f32 $1.600000000e+01, v12;
	v17 =	vcvt.f32.s32 v17;
	vm14 =	vlt.s32 v16, $0x3FF;
	v14 =	vld.idx.msk [tilespmem:v14+s14+$0x0], $0xffff  }
0x111: {  	v16 =	vnsel vm14, $0x3FF, v16  }
0x112: {  	v10 =	vsub.f32 $1.600000000e+01, v10;
	v12 =	vmin.f32 v12, $0.0e+00;
	vm15 =	vlt.s32 v17, $0x3FF;
	v13 =	vld.idx.msk [tilespmem:v13+s14+$0x0], $0xffff  }
0x113: {  	v59 =	vnsel vm15, $0x3FF, v17;
	v9 =	vadd.f32 v9, v12  }
0x114: {  	v7 =	vsub.f32 $1.600000000e+01, v7;
	v10 =	vmin.f32 v10, $0.0e+00;
	v15 =	vld.idx.msk [tilespmem:v15+s14+$0x0], $0xffff  }
0x115: {  	v60 =	vadd.f32 v14, v10;
	v0 =	vadd.f32 v9, v0  }
0x116: {  	v6 =	vsub.f32 $1.600000000e+01, v6;
	v7 =	vmin.f32 v7, $0.0e+00;
	v61 =	vld.idx.msk [tilespmem:v16+s14+$0x0], $0xffff  }
0x117: {  	v7 =	vadd.f32 v13, v7;
	v0 =	vadd.f32 v60, v0  }
0x118: {  	v62 =	vsub.f32 $1.600000000e+01, v11;
	v6 =	vmin.f32 v6, $0.0e+00;
	v63 =	vld.idx.msk [tilespmem:v59+s14+$0x0], $0xffff  }
0x119: {  	s2 =	sadd.s32 $0x1, s2;
	v6 =	vadd.f32 v15, v6;
	v0 =	vadd.f32 v7, v0  }
0x11a: {  	p0 =	sne.s32 s2, $0x8;
	v8 =	vsub.f32 $1.600000000e+01, v8;
	v7 =	vmin.f32 v62, $0.0e+00  }
.Ltmp3:
0x11b: {  	v0 =	vadd.f32 v6, v0;
	v6 =	vadd.f32 v61, v7;
	(pc) =	sbr.rel @p0 .LBB2_7-.Ltmp3, $3  }
0x11c: {  	v7 =	vmin.f32 v8, $0.0e+00  }
0x11d: {  	v0 =	vadd.f32 v6, v0;
	v6 =	vadd.f32 v63, v7;
	_ =	sdelay $0x1  }
0x11e: {  	v0 =	vadd.f32 v6, v0  }
0x11f: {  	s30 =	sadd.s32 $0x1, s30  }
0x120: {  	p0 =	sne.s32 s30, $0x19  }
.Ltmp4:
0x121: {  	_ = 	snop;
	(pc) =	sbr.rel @p0 .LBB2_2-.Ltmp4, $1  }
0x122: {  	_ =	sdelay $0x3  }
0x123: {  	s29 =	sadd.s32 $0x1, s29  }
0x124: {  	p0 =	sne.s32 s29, s12  }
.Ltmp5:
0x125: {  	[tilespmem:$0x1DA00] =	vst v0;
	(pc) =	sbr.rel @p0 .LBB2_1-.Ltmp5, $4  }
0x126: {  	[hbm4b:s11+s3] =	stream.linear.scatter [tilespmem:s28], [sflag:$0x3], $0x80, $0x38;
	[tilespmem:$0x1DA80] =	vst v63  }
0x127: {  	_ =	swait.ge [sflag:s13], $0x80  }
0x128: {  	[sflag:s13] =	ssyncset.done $0x0  }
0x129: {  	[sflag:s13] =	ssyncadd.s32 $0xFFFFFF80  }
0x12a: {  	_ =	sfence.sel $0x180000  }
0x12b: {  	[bflag:$0x0] =	sbarrier.arrive $0xFFFF  }
0x12c: {  	_ =	strace $0x90000047  }
0x12d: {  	s0 =	stileid.u32;
	[bflag:$0x2] =	sbarrier.arrive $0xFFFF  }
0x12e: {  	p0 =	sne.s32 s0, $0x0;
	s0 =	rddreg [dreg:$0x3]  }
0x12f: {  	s0 =	sadd.s32 @!p0 $0x100000, s0  }
0x130: {  	[sflag:s0] =	ssyncadd.tile.s32 @!p0 $0x1;
	_ =	shalt  }
.Lfunc_end2:
_tile_overlayer_lowered:
.L_overlay_start_2:
0x131: {  	(tag) =	ssettag $0x2  }
0x132: {  	s0 =	rddreg [dreg:$0x0];
	s2 =	stileid.u32  }
0x133: {  	s1 =	rddreg [dreg:$0x1];
	p0 =	sne.s32 s2, $0x0  }
0x134: {  	s3 =	rddreg [dreg:$0x2];
	[bflag:$0x3] =	sbarrier.arrive $0xFFFF;
	s2 =	simm.s32 @!p0 $0x1C03  }
0x135: {  	[timem:s3], [sflag:s2] =	dma.local @!p0 [hbm:s0], s1  }
0x136: {  	s0 =	simm.s32 @!p0 $0x3  }
0x137: {  	_ =	swait.ge @!p0 [sflag:s0], s1  }
0x138: {  	s1 =	ssub.s32 @!p0 $0x0, s1;
	[sflag:s0] =	ssyncset.done @!p0 $0x0  }
0x139: {  	[sflag:s0] =	ssyncadd.s32 @!p0 s1  }
0x13a: {  	[bflag:$0x3] =	sbarrier.arrive $0xFFFF  }
0x13b: {  	_ =	shalt  }

</sc_bundles>
